<compile_context>
chip_gen: v7x
topology: tpu7x:2x2x1
jax: 0.10.2.dev20260603
libtpu: 0.0.44.dev20260713+nightly
codegen_flags: <defaults>
</compile_context>

<pallas_src>
import functools

import jax
import jax.numpy as jnp
from jax import lax
from jax.experimental import pallas as pl
from jax.experimental.pallas import tpu as pltpu
from jax.experimental.pallas import tpu_sc as plsc


def _make_sc_kernel(B, F, D, NW, CS):
    b_per_w = B // NW
    n_idx = b_per_w * F
    n_chunks = n_idx // CS

    mesh = plsc.VectorSubcoreMesh(core_axis_name="c", subcore_axis_name="s")

    @functools.partial(
        pl.kernel,
        mesh=mesh,
        compiler_params=pltpu.CompilerParams(use_tc_tiling_on_sc=False),
        out_type=jax.ShapeDtypeStruct((B, D), jnp.float32),
        scratch_types=[
            pltpu.VMEM((n_chunks, CS), jnp.int32),
            pltpu.VMEM((n_idx, D), jnp.float32),
            pltpu.VMEM((b_per_w, D), jnp.float32),
            pltpu.SemaphoreType.DMA,
        ],
    )
    def run(idx_hbm, table_hbm, out_hbm, idx_v, rows_v, out_v, sem):
        wid = lax.axis_index("s") * 2 + lax.axis_index("c")
        base = wid * b_per_w
        pltpu.sync_copy(idx_hbm.at[wid], idx_v)
        copies = []
        for j in range(n_chunks):
            copies.append(
                pltpu.async_copy(
                    table_hbm.at[idx_v.at[j]],
                    rows_v.at[pl.ds(j * CS, CS)],
                    sem,
                )
            )
        for c in copies:
            c.wait()

        def body(b, _):
            p = b * F
            acc = rows_v[p, :]
            for f in range(1, F):
                acc = acc + rows_v[p + f, :]
            out_v[b, :] = acc
            return 0

        lax.fori_loop(0, b_per_w, body, 0)
        pltpu.sync_copy(out_v, out_hbm.at[pl.ds(base, b_per_w)])

    return run


def kernel(sparse_input, emb_table):
    B, F = sparse_input.shape
    V, D = emb_table.shape
    NW = 32
    CS = 128
    b_per_w = B // NW
    n_chunks = (b_per_w * F) // CS
    idx = sparse_input.reshape(NW, n_chunks, CS)
    run = _make_sc_kernel(B, F, D, NW, CS)
    return run(idx, emb_table)

# --- scband reference (transcript-rebuilt; emitter-appended) ---
"""Pipeline reference for scband-basic-model-86028194939250 (READ-ONLY COPY).

The authoritative reference and input builder live on the scoring server;
editing this copy changes nothing except your own understanding.
"""

import jax, jax.numpy as jnp
import numpy as np

NUM_EMBEDDINGS = 1000000
EMBED_DIM = 16
BATCH = 4096
NUM_FIELDS = 26


def setup_inputs(seed: int = 0) -> dict:
    key = jax.random.key(seed)
    k_idx, k_tab = jax.random.split(key)
    sparse_input = jax.random.randint(k_idx, (BATCH, NUM_FIELDS), 0, NUM_EMBEDDINGS, dtype=jnp.int32)
    emb_table = jax.random.normal(k_tab, (NUM_EMBEDDINGS, EMBED_DIM), dtype=jnp.float32) * 0.01
    return {"sparse_input": sparse_input, "emb_table": emb_table}


def reference(sparse_input, emb_table):
    # Embedding layer: gather rows of the shared table for every sparse field.
    dense_input = jnp.take(emb_table, sparse_input, axis=0)  # [B, F, D]
    # FeatureInteraction is abstract in the original class; the canonical minimal
    # concrete realization used by CTR BasicModel subclasses is sum-pooling over fields.
    predict = jnp.sum(dense_input, axis=1)  # [B, D]
    return predict

if __name__ == "__main__":
    import jax
    _d = setup_inputs()
    print(jax.jit(kernel)(*tuple(_d.values())))

</pallas_src>

<mosaic_0001>
#map = affine_map<(d0, d1) -> (0, 0, 0)>
#map1 = affine_map<(d0, d1) -> (0, 0)>
module attributes {stable_mosaic.version = 14 : i64} {
  func.func @run(%arg0: i32, %arg1: i32, %arg2: memref<32x26x128xi32, #tpu.memory_space<hbm>>, %arg3: memref<1000000x16xf32, #tpu.memory_space<hbm>>, %arg4: memref<4096x16xf32, #tpu.memory_space<hbm>>, %arg5: memref<26x128xi32, #tpu.memory_space<vmem>>, %arg6: memref<3328x16xf32, #tpu.memory_space<vmem>>, %arg7: memref<128x16xf32, #tpu.memory_space<vmem>>, %arg8: memref<!tpu.dma_semaphore, #tpu.memory_space<semaphore_mem>>) attributes {dimension_semantics = [#tpu.dimension_semantics<core_parallel>, #tpu.dimension_semantics<subcore_parallel>], iteration_bounds = array<i64: 2, 16>, scalar_prefetch = 0 : i64, scratch_operands = 4 : i64, tpu.core_type = #tpu.core_type<sc_vector_subcore>, window_params = [{transform_indices = #map}, {transform_indices = #map1}, {transform_indices = #map1}]} {
    %mul3A = arith.constant 2 : i32
    %mul3A_0 = arith.muli %arg1, %mul3A : i32
    %add3A = arith.addi %mul3A_0, %arg0 : i32
    %mul3A_1 = arith.constant 128 : i32
    %mul3A_2 = arith.muli %add3A, %mul3A_1 : i32
    "tpu.region"() ({
      %run_scoped3A = tpu.sem_alloc : memref<!tpu.dma_semaphore, #tpu.memory_space<semaphore_mem>>
      %dma_start3A_527 = arith.constant 0 : i32
      %dma_start3A_528 = arith.constant 0 : i32
      %dma_start3A_529 = tpu.memref_slice %arg2[%add3A, %dma_start3A_527, %dma_start3A_528] : memref<32x26x128xi32, #tpu.memory_space<hbm>> -> memref<1x26x128xi32, #tpu.memory_space<hbm>>
      %dma_start3A_530 = tpu.memref_squeeze %dma_start3A_529 : memref<1x26x128xi32, #tpu.memory_space<hbm>> -> memref<26x128xi32, #tpu.memory_space<hbm>>
      %dma_start3A_531 = arith.constant 0 : i32
      %dma_start3A_532 = arith.constant 0 : i32
      %dma_start3A_533 = tpu.memref_slice %arg2[%add3A, %dma_start3A_531, %dma_start3A_532] : memref<32x26x128xi32, #tpu.memory_space<hbm>> -> memref<1x26x128xi32, #tpu.memory_space<hbm>>
      %dma_start3A_534 = tpu.memref_squeeze %dma_start3A_533 : memref<1x26x128xi32, #tpu.memory_space<hbm>> -> memref<26x128xi32, #tpu.memory_space<hbm>>
      tpu.enqueue_dma source(%dma_start3A_534 : memref<26x128xi32, #tpu.memory_space<hbm>>) target(%arg5 : memref<26x128xi32, #tpu.memory_space<vmem>>) target_semaphore(%run_scoped3A : memref<!tpu.dma_semaphore, #tpu.memory_space<semaphore_mem>>)
      %dma_wait3A_535 = arith.constant 0 : i32
      %dma_wait3A_536 = arith.constant 0 : i32
      %dma_wait3A_537 = tpu.memref_slice %arg2[%add3A, %dma_wait3A_535, %dma_wait3A_536] : memref<32x26x128xi32, #tpu.memory_space<hbm>> -> memref<1x26x128xi32, #tpu.memory_space<hbm>>
      %dma_wait3A_538 = tpu.memref_squeeze %dma_wait3A_537 : memref<1x26x128xi32, #tpu.memory_space<hbm>> -> memref<26x128xi32, #tpu.memory_space<hbm>>
      %dma_wait3A_539 = arith.constant 0 : i32
      %dma_wait3A_540 = arith.constant 0 : i32
      %dma_wait3A_541 = tpu.memref_slice %arg2[%add3A, %dma_wait3A_539, %dma_wait3A_540] : memref<32x26x128xi32, #tpu.memory_space<hbm>> -> memref<1x26x128xi32, #tpu.memory_space<hbm>>
      %dma_wait3A_542 = tpu.memref_squeeze %dma_wait3A_541 : memref<1x26x128xi32, #tpu.memory_space<hbm>> -> memref<26x128xi32, #tpu.memory_space<hbm>>
      tpu.wait_dma2 semaphore(%run_scoped3A : memref<!tpu.dma_semaphore, #tpu.memory_space<semaphore_mem>>) src(%dma_wait3A_542 : memref<26x128xi32, #tpu.memory_space<hbm>>) dst(%arg5 : memref<26x128xi32, #tpu.memory_space<vmem>>)
      tpu.yield
    }) : () -> ()
    %dma_start3A = arith.constant 0 : i32
    %dma_start3A_3 = arith.constant 0 : i32
    %dma_start3A_4 = arith.constant 0 : i32
    %dma_start3A_5 = tpu.memref_slice %arg6[%dma_start3A_3, %dma_start3A_4] : memref<3328x16xf32, #tpu.memory_space<vmem>> -> memref<128x16xf32, #tpu.memory_space<vmem>>
    %dma_start3A_6 = arith.constant 0 : i32
    %dma_start3A_7 = tpu.memref_slice %arg5[%dma_start3A, %dma_start3A_6] : memref<26x128xi32, #tpu.memory_space<vmem>> -> memref<1x128xi32, #tpu.memory_space<vmem>>
    %dma_start3A_8 = tpu.memref_squeeze %dma_start3A_7 : memref<1x128xi32, #tpu.memory_space<vmem>> -> memref<128xi32, #tpu.memory_space<vmem>>
    %dma_start3A_9 = arith.constant 0 : i32
    %dma_start3A_10 = arith.constant 0 : i32
    %dma_start3A_11 = tpu.memref_slice %arg3[%dma_start3A_9, %dma_start3A_10] : memref<1000000x16xf32, #tpu.memory_space<hbm>> -> memref<1000000x16xf32, #tpu.memory_space<hbm>>
    tpu.enqueue_indirect_dma source(%dma_start3A_11 : memref<1000000x16xf32, #tpu.memory_space<hbm>>) target(%dma_start3A_5 : memref<128x16xf32, #tpu.memory_space<vmem>>) offsets(%dma_start3A_8 : memref<128xi32, #tpu.memory_space<vmem>>) semaphore(%arg8 : memref<!tpu.dma_semaphore, #tpu.memory_space<semaphore_mem>>)
    %dma_start3A_12 = arith.constant 1 : i32
    %dma_start3A_13 = arith.constant 128 : i32
    %dma_start3A_14 = arith.constant 0 : i32
    %dma_start3A_15 = tpu.memref_slice %arg6[%dma_start3A_13, %dma_start3A_14] : memref<3328x16xf32, #tpu.memory_space<vmem>> -> memref<128x16xf32, #tpu.memory_space<vmem>>
    %dma_start3A_16 = arith.constant 0 : i32
    %dma_start3A_17 = tpu.memref_slice %arg5[%dma_start3A_12, %dma_start3A_16] : memref<26x128xi32, #tpu.memory_space<vmem>> -> memref<1x128xi32, #tpu.memory_space<vmem>>
    %dma_start3A_18 = tpu.memref_squeeze %dma_start3A_17 : memref<1x128xi32, #tpu.memory_space<vmem>> -> memref<128xi32, #tpu.memory_space<vmem>>
    %dma_start3A_19 = arith.constant 0 : i32
    %dma_start3A_20 = arith.constant 0 : i32
    %dma_start3A_21 = tpu.memref_slice %arg3[%dma_start3A_19, %dma_start3A_20] : memref<1000000x16xf32, #tpu.memory_space<hbm>> -> memref<1000000x16xf32, #tpu.memory_space<hbm>>
    tpu.enqueue_indirect_dma source(%dma_start3A_21 : memref<1000000x16xf32, #tpu.memory_space<hbm>>) target(%dma_start3A_15 : memref<128x16xf32, #tpu.memory_space<vmem>>) offsets(%dma_start3A_18 : memref<128xi32, #tpu.memory_space<vmem>>) semaphore(%arg8 : memref<!tpu.dma_semaphore, #tpu.memory_space<semaphore_mem>>)
    %dma_start3A_22 = arith.constant 2 : i32
    %dma_start3A_23 = arith.constant 256 : i32
    %dma_start3A_24 = arith.constant 0 : i32
    %dma_start3A_25 = tpu.memref_slice %arg6[%dma_start3A_23, %dma_start3A_24] : memref<3328x16xf32, #tpu.memory_space<vmem>> -> memref<128x16xf32, #tpu.memory_space<vmem>>
    %dma_start3A_26 = arith.constant 0 : i32
    %dma_start3A_27 = tpu.memref_slice %arg5[%dma_start3A_22, %dma_start3A_26] : memref<26x128xi32, #tpu.memory_space<vmem>> -> memref<1x128xi32, #tpu.memory_space<vmem>>
    %dma_start3A_28 = tpu.memref_squeeze %dma_start3A_27 : memref<1x128xi32, #tpu.memory_space<vmem>> -> memref<128xi32, #tpu.memory_space<vmem>>
    %dma_start3A_29 = arith.constant 0 : i32
    %dma_start3A_30 = arith.constant 0 : i32
    %dma_start3A_31 = tpu.memref_slice %arg3[%dma_start3A_29, %dma_start3A_30] : memref<1000000x16xf32, #tpu.memory_space<hbm>> -> memref<1000000x16xf32, #tpu.memory_space<hbm>>
    tpu.enqueue_indirect_dma source(%dma_start3A_31 : memref<1000000x16xf32, #tpu.memory_space<hbm>>) target(%dma_start3A_25 : memref<128x16xf32, #tpu.memory_space<vmem>>) offsets(%dma_start3A_28 : memref<128xi32, #tpu.memory_space<vmem>>) semaphore(%arg8 : memref<!tpu.dma_semaphore, #tpu.memory_space<semaphore_mem>>)
    %dma_start3A_32 = arith.constant 3 : i32
    %dma_start3A_33 = arith.constant 384 : i32
    %dma_start3A_34 = arith.constant 0 : i32
    %dma_start3A_35 = tpu.memref_slice %arg6[%dma_start3A_33, %dma_start3A_34] : memref<3328x16xf32, #tpu.memory_space<vmem>> -> memref<128x16xf32, #tpu.memory_space<vmem>>
    %dma_start3A_36 = arith.constant 0 : i32
    %dma_start3A_37 = tpu.memref_slice %arg5[%dma_start3A_32, %dma_start3A_36] : memref<26x128xi32, #tpu.memory_space<vmem>> -> memref<1x128xi32, #tpu.memory_space<vmem>>
    %dma_start3A_38 = tpu.memref_squeeze %dma_start3A_37 : memref<1x128xi32, #tpu.memory_space<vmem>> -> memref<128xi32, #tpu.memory_space<vmem>>
    %dma_start3A_39 = arith.constant 0 : i32
    %dma_start3A_40 = arith.constant 0 : i32
    %dma_start3A_41 = tpu.memref_slice %arg3[%dma_start3A_39, %dma_start3A_40] : memref<1000000x16xf32, #tpu.memory_space<hbm>> -> memref<1000000x16xf32, #tpu.memory_space<hbm>>
    tpu.enqueue_indirect_dma source(%dma_start3A_41 : memref<1000000x16xf32, #tpu.memory_space<hbm>>) target(%dma_start3A_35 : memref<128x16xf32, #tpu.memory_space<vmem>>) offsets(%dma_start3A_38 : memref<128xi32, #tpu.memory_space<vmem>>) semaphore(%arg8 : memref<!tpu.dma_semaphore, #tpu.memory_space<semaphore_mem>>)
    %dma_start3A_42 = arith.constant 4 : i32
    %dma_start3A_43 = arith.constant 512 : i32
    %dma_start3A_44 = arith.constant 0 : i32
    %dma_start3A_45 = tpu.memref_slice %arg6[%dma_start3A_43, %dma_start3A_44] : memref<3328x16xf32, #tpu.memory_space<vmem>> -> memref<128x16xf32, #tpu.memory_space<vmem>>
    %dma_start3A_46 = arith.constant 0 : i32
    %dma_start3A_47 = tpu.memref_slice %arg5[%dma_start3A_42, %dma_start3A_46] : memref<26x128xi32, #tpu.memory_space<vmem>> -> memref<1x128xi32, #tpu.memory_space<vmem>>
    %dma_start3A_48 = tpu.memref_squeeze %dma_start3A_47 : memref<1x128xi32, #tpu.memory_space<vmem>> -> memref<128xi32, #tpu.memory_space<vmem>>
    %dma_start3A_49 = arith.constant 0 : i32
    %dma_start3A_50 = arith.constant 0 : i32
    %dma_start3A_51 = tpu.memref_slice %arg3[%dma_start3A_49, %dma_start3A_50] : memref<1000000x16xf32, #tpu.memory_space<hbm>> -> memref<1000000x16xf32, #tpu.memory_space<hbm>>
    tpu.enqueue_indirect_dma source(%dma_start3A_51 : memref<1000000x16xf32, #tpu.memory_space<hbm>>) target(%dma_start3A_45 : memref<128x16xf32, #tpu.memory_space<vmem>>) offsets(%dma_start3A_48 : memref<128xi32, #tpu.memory_space<vmem>>) semaphore(%arg8 : memref<!tpu.dma_semaphore, #tpu.memory_space<semaphore_mem>>)
    %dma_start3A_52 = arith.constant 5 : i32
    %dma_start3A_53 = arith.constant 640 : i32
    %dma_start3A_54 = arith.constant 0 : i32
    %dma_start3A_55 = tpu.memref_slice %arg6[%dma_start3A_53, %dma_start3A_54] : memref<3328x16xf32, #tpu.memory_space<vmem>> -> memref<128x16xf32, #tpu.memory_space<vmem>>
    %dma_start3A_56 = arith.constant 0 : i32
    %dma_start3A_57 = tpu.memref_slice %arg5[%dma_start3A_52, %dma_start3A_56] : memref<26x128xi32, #tpu.memory_space<vmem>> -> memref<1x128xi32, #tpu.memory_space<vmem>>
    %dma_start3A_58 = tpu.memref_squeeze %dma_start3A_57 : memref<1x128xi32, #tpu.memory_space<vmem>> -> memref<128xi32, #tpu.memory_space<vmem>>
    %dma_start3A_59 = arith.constant 0 : i32
    %dma_start3A_60 = arith.constant 0 : i32
    %dma_start3A_61 = tpu.memref_slice %arg3[%dma_start3A_59, %dma_start3A_60] : memref<1000000x16xf32, #tpu.memory_space<hbm>> -> memref<1000000x16xf32, #tpu.memory_space<hbm>>
    tpu.enqueue_indirect_dma source(%dma_start3A_61 : memref<1000000x16xf32, #tpu.memory_space<hbm>>) target(%dma_start3A_55 : memref<128x16xf32, #tpu.memory_space<vmem>>) offsets(%dma_start3A_58 : memref<128xi32, #tpu.memory_space<vmem>>) semaphore(%arg8 : memref<!tpu.dma_semaphore, #tpu.memory_space<semaphore_mem>>)
    %dma_start3A_62 = arith.constant 6 : i32
    %dma_start3A_63 = arith.constant 768 : i32
    %dma_start3A_64 = arith.constant 0 : i32
    %dma_start3A_65 = tpu.memref_slice %arg6[%dma_start3A_63, %dma_start3A_64] : memref<3328x16xf32, #tpu.memory_space<vmem>> -> memref<128x16xf32, #tpu.memory_space<vmem>>
    %dma_start3A_66 = arith.constant 0 : i32
    %dma_start3A_67 = tpu.memref_slice %arg5[%dma_start3A_62, %dma_start3A_66] : memref<26x128xi32, #tpu.memory_space<vmem>> -> memref<1x128xi32, #tpu.memory_space<vmem>>
    %dma_start3A_68 = tpu.memref_squeeze %dma_start3A_67 : memref<1x128xi32, #tpu.memory_space<vmem>> -> memref<128xi32, #tpu.memory_space<vmem>>
    %dma_start3A_69 = arith.constant 0 : i32
    %dma_start3A_70 = arith.constant 0 : i32
    %dma_start3A_71 = tpu.memref_slice %arg3[%dma_start3A_69, %dma_start3A_70] : memref<1000000x16xf32, #tpu.memory_space<hbm>> -> memref<1000000x16xf32, #tpu.memory_space<hbm>>
    tpu.enqueue_indirect_dma source(%dma_start3A_71 : memref<1000000x16xf32, #tpu.memory_space<hbm>>) target(%dma_start3A_65 : memref<128x16xf32, #tpu.memory_space<vmem>>) offsets(%dma_start3A_68 : memref<128xi32, #tpu.memory_space<vmem>>) semaphore(%arg8 : memref<!tpu.dma_semaphore, #tpu.memory_space<semaphore_mem>>)
    %dma_start3A_72 = arith.constant 7 : i32
    %dma_start3A_73 = arith.constant 896 : i32
    %dma_start3A_74 = arith.constant 0 : i32
    %dma_start3A_75 = tpu.memref_slice %arg6[%dma_start3A_73, %dma_start3A_74] : memref<3328x16xf32, #tpu.memory_space<vmem>> -> memref<128x16xf32, #tpu.memory_space<vmem>>
    %dma_start3A_76 = arith.constant 0 : i32
    %dma_start3A_77 = tpu.memref_slice %arg5[%dma_start3A_72, %dma_start3A_76] : memref<26x128xi32, #tpu.memory_space<vmem>> -> memref<1x128xi32, #tpu.memory_space<vmem>>
    %dma_start3A_78 = tpu.memref_squeeze %dma_start3A_77 : memref<1x128xi32, #tpu.memory_space<vmem>> -> memref<128xi32, #tpu.memory_space<vmem>>
    %dma_start3A_79 = arith.constant 0 : i32
    %dma_start3A_80 = arith.constant 0 : i32
    %dma_start3A_81 = tpu.memref_slice %arg3[%dma_start3A_79, %dma_start3A_80] : memref<1000000x16xf32, #tpu.memory_space<hbm>> -> memref<1000000x16xf32, #tpu.memory_space<hbm>>
    tpu.enqueue_indirect_dma source(%dma_start3A_81 : memref<1000000x16xf32, #tpu.memory_space<hbm>>) target(%dma_start3A_75 : memref<128x16xf32, #tpu.memory_space<vmem>>) offsets(%dma_start3A_78 : memref<128xi32, #tpu.memory_space<vmem>>) semaphore(%arg8 : memref<!tpu.dma_semaphore, #tpu.memory_space<semaphore_mem>>)
    %dma_start3A_82 = arith.constant 8 : i32
    %dma_start3A_83 = arith.constant 1024 : i32
    %dma_start3A_84 = arith.constant 0 : i32
    %dma_start3A_85 = tpu.memref_slice %arg6[%dma_start3A_83, %dma_start3A_84] : memref<3328x16xf32, #tpu.memory_space<vmem>> -> memref<128x16xf32, #tpu.memory_space<vmem>>
    %dma_start3A_86 = arith.constant 0 : i32
    %dma_start3A_87 = tpu.memref_slice %arg5[%dma_start3A_82, %dma_start3A_86] : memref<26x128xi32, #tpu.memory_space<vmem>> -> memref<1x128xi32, #tpu.memory_space<vmem>>
    %dma_start3A_88 = tpu.memref_squeeze %dma_start3A_87 : memref<1x128xi32, #tpu.memory_space<vmem>> -> memref<128xi32, #tpu.memory_space<vmem>>
    %dma_start3A_89 = arith.constant 0 : i32
    %dma_start3A_90 = arith.constant 0 : i32
    %dma_start3A_91 = tpu.memref_slice %arg3[%dma_start3A_89, %dma_start3A_90] : memref<1000000x16xf32, #tpu.memory_space<hbm>> -> memref<1000000x16xf32, #tpu.memory_space<hbm>>
    tpu.enqueue_indirect_dma source(%dma_start3A_91 : memref<1000000x16xf32, #tpu.memory_space<hbm>>) target(%dma_start3A_85 : memref<128x16xf32, #tpu.memory_space<vmem>>) offsets(%dma_start3A_88 : memref<128xi32, #tpu.memory_space<vmem>>) semaphore(%arg8 : memref<!tpu.dma_semaphore, #tpu.memory_space<semaphore_mem>>)
    %dma_start3A_92 = arith.constant 9 : i32
    %dma_start3A_93 = arith.constant 1152 : i32
    %dma_start3A_94 = arith.constant 0 : i32
    %dma_start3A_95 = tpu.memref_slice %arg6[%dma_start3A_93, %dma_start3A_94] : memref<3328x16xf32, #tpu.memory_space<vmem>> -> memref<128x16xf32, #tpu.memory_space<vmem>>
    %dma_start3A_96 = arith.constant 0 : i32
    %dma_start3A_97 = tpu.memref_slice %arg5[%dma_start3A_92, %dma_start3A_96] : memref<26x128xi32, #tpu.memory_space<vmem>> -> memref<1x128xi32, #tpu.memory_space<vmem>>
    %dma_start3A_98 = tpu.memref_squeeze %dma_start3A_97 : memref<1x128xi32, #tpu.memory_space<vmem>> -> memref<128xi32, #tpu.memory_space<vmem>>
    %dma_start3A_99 = arith.constant 0 : i32
    %dma_start3A_100 = arith.constant 0 : i32
    %dma_start3A_101 = tpu.memref_slice %arg3[%dma_start3A_99, %dma_start3A_100] : memref<1000000x16xf32, #tpu.memory_space<hbm>> -> memref<1000000x16xf32, #tpu.memory_space<hbm>>
    tpu.enqueue_indirect_dma source(%dma_start3A_101 : memref<1000000x16xf32, #tpu.memory_space<hbm>>) target(%dma_start3A_95 : memref<128x16xf32, #tpu.memory_space<vmem>>) offsets(%dma_start3A_98 : memref<128xi32, #tpu.memory_space<vmem>>) semaphore(%arg8 : memref<!tpu.dma_semaphore, #tpu.memory_space<semaphore_mem>>)
    %dma_start3A_102 = arith.constant 10 : i32
    %dma_start3A_103 = arith.constant 1280 : i32
    %dma_start3A_104 = arith.constant 0 : i32
    %dma_start3A_105 = tpu.memref_slice %arg6[%dma_start3A_103, %dma_start3A_104] : memref<3328x16xf32, #tpu.memory_space<vmem>> -> memref<128x16xf32, #tpu.memory_space<vmem>>
    %dma_start3A_106 = arith.constant 0 : i32
    %dma_start3A_107 = tpu.memref_slice %arg5[%dma_start3A_102, %dma_start3A_106] : memref<26x128xi32, #tpu.memory_space<vmem>> -> memref<1x128xi32, #tpu.memory_space<vmem>>
    %dma_start3A_108 = tpu.memref_squeeze %dma_start3A_107 : memref<1x128xi32, #tpu.memory_space<vmem>> -> memref<128xi32, #tpu.memory_space<vmem>>
    %dma_start3A_109 = arith.constant 0 : i32
    %dma_start3A_110 = arith.constant 0 : i32
    %dma_start3A_111 = tpu.memref_slice %arg3[%dma_start3A_109, %dma_start3A_110] : memref<1000000x16xf32, #tpu.memory_space<hbm>> -> memref<1000000x16xf32, #tpu.memory_space<hbm>>
    tpu.enqueue_indirect_dma source(%dma_start3A_111 : memref<1000000x16xf32, #tpu.memory_space<hbm>>) target(%dma_start3A_105 : memref<128x16xf32, #tpu.memory_space<vmem>>) offsets(%dma_start3A_108 : memref<128xi32, #tpu.memory_space<vmem>>) semaphore(%arg8 : memref<!tpu.dma_semaphore, #tpu.memory_space<semaphore_mem>>)
    %dma_start3A_112 = arith.constant 11 : i32
    %dma_start3A_113 = arith.constant 1408 : i32
    %dma_start3A_114 = arith.constant 0 : i32
    %dma_start3A_115 = tpu.memref_slice %arg6[%dma_start3A_113, %dma_start3A_114] : memref<3328x16xf32, #tpu.memory_space<vmem>> -> memref<128x16xf32, #tpu.memory_space<vmem>>
    %dma_start3A_116 = arith.constant 0 : i32
    %dma_start3A_117 = tpu.memref_slice %arg5[%dma_start3A_112, %dma_start3A_116] : memref<26x128xi32, #tpu.memory_space<vmem>> -> memref<1x128xi32, #tpu.memory_space<vmem>>
    %dma_start3A_118 = tpu.memref_squeeze %dma_start3A_117 : memref<1x128xi32, #tpu.memory_space<vmem>> -> memref<128xi32, #tpu.memory_space<vmem>>
    %dma_start3A_119 = arith.constant 0 : i32
    %dma_start3A_120 = arith.constant 0 : i32
    %dma_start3A_121 = tpu.memref_slice %arg3[%dma_start3A_119, %dma_start3A_120] : memref<1000000x16xf32, #tpu.memory_space<hbm>> -> memref<1000000x16xf32, #tpu.memory_space<hbm>>
    tpu.enqueue_indirect_dma source(%dma_start3A_121 : memref<1000000x16xf32, #tpu.memory_space<hbm>>) target(%dma_start3A_115 : memref<128x16xf32, #tpu.memory_space<vmem>>) offsets(%dma_start3A_118 : memref<128xi32, #tpu.memory_space<vmem>>) semaphore(%arg8 : memref<!tpu.dma_semaphore, #tpu.memory_space<semaphore_mem>>)
    %dma_start3A_122 = arith.constant 12 : i32
    %dma_start3A_123 = arith.constant 1536 : i32
    %dma_start3A_124 = arith.constant 0 : i32
    %dma_start3A_125 = tpu.memref_slice %arg6[%dma_start3A_123, %dma_start3A_124] : memref<3328x16xf32, #tpu.memory_space<vmem>> -> memref<128x16xf32, #tpu.memory_space<vmem>>
    %dma_start3A_126 = arith.constant 0 : i32
    %dma_start3A_127 = tpu.memref_slice %arg5[%dma_start3A_122, %dma_start3A_126] : memref<26x128xi32, #tpu.memory_space<vmem>> -> memref<1x128xi32, #tpu.memory_space<vmem>>
    %dma_start3A_128 = tpu.memref_squeeze %dma_start3A_127 : memref<1x128xi32, #tpu.memory_space<vmem>> -> memref<128xi32, #tpu.memory_space<vmem>>
    %dma_start3A_129 = arith.constant 0 : i32
    %dma_start3A_130 = arith.constant 0 : i32
    %dma_start3A_131 = tpu.memref_slice %arg3[%dma_start3A_129, %dma_start3A_130] : memref<1000000x16xf32, #tpu.memory_space<hbm>> -> memref<1000000x16xf32, #tpu.memory_space<hbm>>
    tpu.enqueue_indirect_dma source(%dma_start3A_131 : memref<1000000x16xf32, #tpu.memory_space<hbm>>) target(%dma_start3A_125 : memref<128x16xf32, #tpu.memory_space<vmem>>) offsets(%dma_start3A_128 : memref<128xi32, #tpu.memory_space<vmem>>) semaphore(%arg8 : memref<!tpu.dma_semaphore, #tpu.memory_space<semaphore_mem>>)
    %dma_start3A_132 = arith.constant 13 : i32
    %dma_start3A_133 = arith.constant 1664 : i32
    %dma_start3A_134 = arith.constant 0 : i32
    %dma_start3A_135 = tpu.memref_slice %arg6[%dma_start3A_133, %dma_start3A_134] : memref<3328x16xf32, #tpu.memory_space<vmem>> -> memref<128x16xf32, #tpu.memory_space<vmem>>
    %dma_start3A_136 = arith.constant 0 : i32
    %dma_start3A_137 = tpu.memref_slice %arg5[%dma_start3A_132, %dma_start3A_136] : memref<26x128xi32, #tpu.memory_space<vmem>> -> memref<1x128xi32, #tpu.memory_space<vmem>>
    %dma_start3A_138 = tpu.memref_squeeze %dma_start3A_137 : memref<1x128xi32, #tpu.memory_space<vmem>> -> memref<128xi32, #tpu.memory_space<vmem>>
    %dma_start3A_139 = arith.constant 0 : i32
    %dma_start3A_140 = arith.constant 0 : i32
    %dma_start3A_141 = tpu.memref_slice %arg3[%dma_start3A_139, %dma_start3A_140] : memref<1000000x16xf32, #tpu.memory_space<hbm>> -> memref<1000000x16xf32, #tpu.memory_space<hbm>>
    tpu.enqueue_indirect_dma source(%dma_start3A_141 : memref<1000000x16xf32, #tpu.memory_space<hbm>>) target(%dma_start3A_135 : memref<128x16xf32, #tpu.memory_space<vmem>>) offsets(%dma_start3A_138 : memref<128xi32, #tpu.memory_space<vmem>>) semaphore(%arg8 : memref<!tpu.dma_semaphore, #tpu.memory_space<semaphore_mem>>)
    %dma_start3A_142 = arith.constant 14 : i32
    %dma_start3A_143 = arith.constant 1792 : i32
    %dma_start3A_144 = arith.constant 0 : i32
    %dma_start3A_145 = tpu.memref_slice %arg6[%dma_start3A_143, %dma_start3A_144] : memref<3328x16xf32, #tpu.memory_space<vmem>> -> memref<128x16xf32, #tpu.memory_space<vmem>>
    %dma_start3A_146 = arith.constant 0 : i32
    %dma_start3A_147 = tpu.memref_slice %arg5[%dma_start3A_142, %dma_start3A_146] : memref<26x128xi32, #tpu.memory_space<vmem>> -> memref<1x128xi32, #tpu.memory_space<vmem>>
    %dma_start3A_148 = tpu.memref_squeeze %dma_start3A_147 : memref<1x128xi32, #tpu.memory_space<vmem>> -> memref<128xi32, #tpu.memory_space<vmem>>
    %dma_start3A_149 = arith.constant 0 : i32
    %dma_start3A_150 = arith.constant 0 : i32
    %dma_start3A_151 = tpu.memref_slice %arg3[%dma_start3A_149, %dma_start3A_150] : memref<1000000x16xf32, #tpu.memory_space<hbm>> -> memref<1000000x16xf32, #tpu.memory_space<hbm>>
    tpu.enqueue_indirect_dma source(%dma_start3A_151 : memref<1000000x16xf32, #tpu.memory_space<hbm>>) target(%dma_start3A_145 : memref<128x16xf32, #tpu.memory_space<vmem>>) offsets(%dma_start3A_148 : memref<128xi32, #tpu.memory_space<vmem>>) semaphore(%arg8 : memref<!tpu.dma_semaphore, #tpu.memory_space<semaphore_mem>>)
    %dma_start3A_152 = arith.constant 15 : i32
    %dma_start3A_153 = arith.constant 1920 : i32
    %dma_start3A_154 = arith.constant 0 : i32
    %dma_start3A_155 = tpu.memref_slice %arg6[%dma_start3A_153, %dma_start3A_154] : memref<3328x16xf32, #tpu.memory_space<vmem>> -> memref<128x16xf32, #tpu.memory_space<vmem>>
    %dma_start3A_156 = arith.constant 0 : i32
    %dma_start3A_157 = tpu.memref_slice %arg5[%dma_start3A_152, %dma_start3A_156] : memref<26x128xi32, #tpu.memory_space<vmem>> -> memref<1x128xi32, #tpu.memory_space<vmem>>
    %dma_start3A_158 = tpu.memref_squeeze %dma_start3A_157 : memref<1x128xi32, #tpu.memory_space<vmem>> -> memref<128xi32, #tpu.memory_space<vmem>>
    %dma_start3A_159 = arith.constant 0 : i32
    %dma_start3A_160 = arith.constant 0 : i32
    %dma_start3A_161 = tpu.memref_slice %arg3[%dma_start3A_159, %dma_start3A_160] : memref<1000000x16xf32, #tpu.memory_space<hbm>> -> memref<1000000x16xf32, #tpu.memory_space<hbm>>
    tpu.enqueue_indirect_dma source(%dma_start3A_161 : memref<1000000x16xf32, #tpu.memory_space<hbm>>) target(%dma_start3A_155 : memref<128x16xf32, #tpu.memory_space<vmem>>) offsets(%dma_start3A_158 : memref<128xi32, #tpu.memory_space<vmem>>) semaphore(%arg8 : memref<!tpu.dma_semaphore, #tpu.memory_space<semaphore_mem>>)
    %dma_start3A_162 = arith.constant 16 : i32
    %dma_start3A_163 = arith.constant 2048 : i32
    %dma_start3A_164 = arith.constant 0 : i32
    %dma_start3A_165 = tpu.memref_slice %arg6[%dma_start3A_163, %dma_start3A_164] : memref<3328x16xf32, #tpu.memory_space<vmem>> -> memref<128x16xf32, #tpu.memory_space<vmem>>
    %dma_start3A_166 = arith.constant 0 : i32
    %dma_start3A_167 = tpu.memref_slice %arg5[%dma_start3A_162, %dma_start3A_166] : memref<26x128xi32, #tpu.memory_space<vmem>> -> memref<1x128xi32, #tpu.memory_space<vmem>>
    %dma_start3A_168 = tpu.memref_squeeze %dma_start3A_167 : memref<1x128xi32, #tpu.memory_space<vmem>> -> memref<128xi32, #tpu.memory_space<vmem>>
    %dma_start3A_169 = arith.constant 0 : i32
    %dma_start3A_170 = arith.constant 0 : i32
    %dma_start3A_171 = tpu.memref_slice %arg3[%dma_start3A_169, %dma_start3A_170] : memref<1000000x16xf32, #tpu.memory_space<hbm>> -> memref<1000000x16xf32, #tpu.memory_space<hbm>>
    tpu.enqueue_indirect_dma source(%dma_start3A_171 : memref<1000000x16xf32, #tpu.memory_space<hbm>>) target(%dma_start3A_165 : memref<128x16xf32, #tpu.memory_space<vmem>>) offsets(%dma_start3A_168 : memref<128xi32, #tpu.memory_space<vmem>>) semaphore(%arg8 : memref<!tpu.dma_semaphore, #tpu.memory_space<semaphore_mem>>)
    %dma_start3A_172 = arith.constant 17 : i32
    %dma_start3A_173 = arith.constant 2176 : i32
    %dma_start3A_174 = arith.constant 0 : i32
    %dma_start3A_175 = tpu.memref_slice %arg6[%dma_start3A_173, %dma_start3A_174] : memref<3328x16xf32, #tpu.memory_space<vmem>> -> memref<128x16xf32, #tpu.memory_space<vmem>>
    %dma_start3A_176 = arith.constant 0 : i32
    %dma_start3A_177 = tpu.memref_slice %arg5[%dma_start3A_172, %dma_start3A_176] : memref<26x128xi32, #tpu.memory_space<vmem>> -> memref<1x128xi32, #tpu.memory_space<vmem>>
    %dma_start3A_178 = tpu.memref_squeeze %dma_start3A_177 : memref<1x128xi32, #tpu.memory_space<vmem>> -> memref<128xi32, #tpu.memory_space<vmem>>
    %dma_start3A_179 = arith.constant 0 : i32
    %dma_start3A_180 = arith.constant 0 : i32
    %dma_start3A_181 = tpu.memref_slice %arg3[%dma_start3A_179, %dma_start3A_180] : memref<1000000x16xf32, #tpu.memory_space<hbm>> -> memref<1000000x16xf32, #tpu.memory_space<hbm>>
    tpu.enqueue_indirect_dma source(%dma_start3A_181 : memref<1000000x16xf32, #tpu.memory_space<hbm>>) target(%dma_start3A_175 : memref<128x16xf32, #tpu.memory_space<vmem>>) offsets(%dma_start3A_178 : memref<128xi32, #tpu.memory_space<vmem>>) semaphore(%arg8 : memref<!tpu.dma_semaphore, #tpu.memory_space<semaphore_mem>>)
    %dma_start3A_182 = arith.constant 18 : i32
    %dma_start3A_183 = arith.constant 2304 : i32
    %dma_start3A_184 = arith.constant 0 : i32
    %dma_start3A_185 = tpu.memref_slice %arg6[%dma_start3A_183, %dma_start3A_184] : memref<3328x16xf32, #tpu.memory_space<vmem>> -> memref<128x16xf32, #tpu.memory_space<vmem>>
    %dma_start3A_186 = arith.constant 0 : i32
    %dma_start3A_187 = tpu.memref_slice %arg5[%dma_start3A_182, %dma_start3A_186] : memref<26x128xi32, #tpu.memory_space<vmem>> -> memref<1x128xi32, #tpu.memory_space<vmem>>
    %dma_start3A_188 = tpu.memref_squeeze %dma_start3A_187 : memref<1x128xi32, #tpu.memory_space<vmem>> -> memref<128xi32, #tpu.memory_space<vmem>>
    %dma_start3A_189 = arith.constant 0 : i32
    %dma_start3A_190 = arith.constant 0 : i32
    %dma_start3A_191 = tpu.memref_slice %arg3[%dma_start3A_189, %dma_start3A_190] : memref<1000000x16xf32, #tpu.memory_space<hbm>> -> memref<1000000x16xf32, #tpu.memory_space<hbm>>
    tpu.enqueue_indirect_dma source(%dma_start3A_191 : memref<1000000x16xf32, #tpu.memory_space<hbm>>) target(%dma_start3A_185 : memref<128x16xf32, #tpu.memory_space<vmem>>) offsets(%dma_start3A_188 : memref<128xi32, #tpu.memory_space<vmem>>) semaphore(%arg8 : memref<!tpu.dma_semaphore, #tpu.memory_space<semaphore_mem>>)
    %dma_start3A_192 = arith.constant 19 : i32
    %dma_start3A_193 = arith.constant 2432 : i32
    %dma_start3A_194 = arith.constant 0 : i32
    %dma_start3A_195 = tpu.memref_slice %arg6[%dma_start3A_193, %dma_start3A_194] : memref<3328x16xf32, #tpu.memory_space<vmem>> -> memref<128x16xf32, #tpu.memory_space<vmem>>
    %dma_start3A_196 = arith.constant 0 : i32
    %dma_start3A_197 = tpu.memref_slice %arg5[%dma_start3A_192, %dma_start3A_196] : memref<26x128xi32, #tpu.memory_space<vmem>> -> memref<1x128xi32, #tpu.memory_space<vmem>>
    %dma_start3A_198 = tpu.memref_squeeze %dma_start3A_197 : memref<1x128xi32, #tpu.memory_space<vmem>> -> memref<128xi32, #tpu.memory_space<vmem>>
    %dma_start3A_199 = arith.constant 0 : i32
    %dma_start3A_200 = arith.constant 0 : i32
    %dma_start3A_201 = tpu.memref_slice %arg3[%dma_start3A_199, %dma_start3A_200] : memref<1000000x16xf32, #tpu.memory_space<hbm>> -> memref<1000000x16xf32, #tpu.memory_space<hbm>>
    tpu.enqueue_indirect_dma source(%dma_start3A_201 : memref<1000000x16xf32, #tpu.memory_space<hbm>>) target(%dma_start3A_195 : memref<128x16xf32, #tpu.memory_space<vmem>>) offsets(%dma_start3A_198 : memref<128xi32, #tpu.memory_space<vmem>>) semaphore(%arg8 : memref<!tpu.dma_semaphore, #tpu.memory_space<semaphore_mem>>)
    %dma_start3A_202 = arith.constant 20 : i32
    %dma_start3A_203 = arith.constant 2560 : i32
    %dma_start3A_204 = arith.constant 0 : i32
    %dma_start3A_205 = tpu.memref_slice %arg6[%dma_start3A_203, %dma_start3A_204] : memref<3328x16xf32, #tpu.memory_space<vmem>> -> memref<128x16xf32, #tpu.memory_space<vmem>>
    %dma_start3A_206 = arith.constant 0 : i32
    %dma_start3A_207 = tpu.memref_slice %arg5[%dma_start3A_202, %dma_start3A_206] : memref<26x128xi32, #tpu.memory_space<vmem>> -> memref<1x128xi32, #tpu.memory_space<vmem>>
    %dma_start3A_208 = tpu.memref_squeeze %dma_start3A_207 : memref<1x128xi32, #tpu.memory_space<vmem>> -> memref<128xi32, #tpu.memory_space<vmem>>
    %dma_start3A_209 = arith.constant 0 : i32
    %dma_start3A_210 = arith.constant 0 : i32
    %dma_start3A_211 = tpu.memref_slice %arg3[%dma_start3A_209, %dma_start3A_210] : memref<1000000x16xf32, #tpu.memory_space<hbm>> -> memref<1000000x16xf32, #tpu.memory_space<hbm>>
    tpu.enqueue_indirect_dma source(%dma_start3A_211 : memref<1000000x16xf32, #tpu.memory_space<hbm>>) target(%dma_start3A_205 : memref<128x16xf32, #tpu.memory_space<vmem>>) offsets(%dma_start3A_208 : memref<128xi32, #tpu.memory_space<vmem>>) semaphore(%arg8 : memref<!tpu.dma_semaphore, #tpu.memory_space<semaphore_mem>>)
    %dma_start3A_212 = arith.constant 21 : i32
    %dma_start3A_213 = arith.constant 2688 : i32
    %dma_start3A_214 = arith.constant 0 : i32
    %dma_start3A_215 = tpu.memref_slice %arg6[%dma_start3A_213, %dma_start3A_214] : memref<3328x16xf32, #tpu.memory_space<vmem>> -> memref<128x16xf32, #tpu.memory_space<vmem>>
    %dma_start3A_216 = arith.constant 0 : i32
    %dma_start3A_217 = tpu.memref_slice %arg5[%dma_start3A_212, %dma_start3A_216] : memref<26x128xi32, #tpu.memory_space<vmem>> -> memref<1x128xi32, #tpu.memory_space<vmem>>
    %dma_start3A_218 = tpu.memref_squeeze %dma_start3A_217 : memref<1x128xi32, #tpu.memory_space<vmem>> -> memref<128xi32, #tpu.memory_space<vmem>>
    %dma_start3A_219 = arith.constant 0 : i32
    %dma_start3A_220 = arith.constant 0 : i32
    %dma_start3A_221 = tpu.memref_slice %arg3[%dma_start3A_219, %dma_start3A_220] : memref<1000000x16xf32, #tpu.memory_space<hbm>> -> memref<1000000x16xf32, #tpu.memory_space<hbm>>
    tpu.enqueue_indirect_dma source(%dma_start3A_221 : memref<1000000x16xf32, #tpu.memory_space<hbm>>) target(%dma_start3A_215 : memref<128x16xf32, #tpu.memory_space<vmem>>) offsets(%dma_start3A_218 : memref<128xi32, #tpu.memory_space<vmem>>) semaphore(%arg8 : memref<!tpu.dma_semaphore, #tpu.memory_space<semaphore_mem>>)
    %dma_start3A_222 = arith.constant 22 : i32
    %dma_start3A_223 = arith.constant 2816 : i32
    %dma_start3A_224 = arith.constant 0 : i32
    %dma_start3A_225 = tpu.memref_slice %arg6[%dma_start3A_223, %dma_start3A_224] : memref<3328x16xf32, #tpu.memory_space<vmem>> -> memref<128x16xf32, #tpu.memory_space<vmem>>
    %dma_start3A_226 = arith.constant 0 : i32
    %dma_start3A_227 = tpu.memref_slice %arg5[%dma_start3A_222, %dma_start3A_226] : memref<26x128xi32, #tpu.memory_space<vmem>> -> memref<1x128xi32, #tpu.memory_space<vmem>>
    %dma_start3A_228 = tpu.memref_squeeze %dma_start3A_227 : memref<1x128xi32, #tpu.memory_space<vmem>> -> memref<128xi32, #tpu.memory_space<vmem>>
    %dma_start3A_229 = arith.constant 0 : i32
    %dma_start3A_230 = arith.constant 0 : i32
    %dma_start3A_231 = tpu.memref_slice %arg3[%dma_start3A_229, %dma_start3A_230] : memref<1000000x16xf32, #tpu.memory_space<hbm>> -> memref<1000000x16xf32, #tpu.memory_space<hbm>>
    tpu.enqueue_indirect_dma source(%dma_start3A_231 : memref<1000000x16xf32, #tpu.memory_space<hbm>>) target(%dma_start3A_225 : memref<128x16xf32, #tpu.memory_space<vmem>>) offsets(%dma_start3A_228 : memref<128xi32, #tpu.memory_space<vmem>>) semaphore(%arg8 : memref<!tpu.dma_semaphore, #tpu.memory_space<semaphore_mem>>)
    %dma_start3A_232 = arith.constant 23 : i32
    %dma_start3A_233 = arith.constant 2944 : i32
    %dma_start3A_234 = arith.constant 0 : i32
    %dma_start3A_235 = tpu.memref_slice %arg6[%dma_start3A_233, %dma_start3A_234] : memref<3328x16xf32, #tpu.memory_space<vmem>> -> memref<128x16xf32, #tpu.memory_space<vmem>>
    %dma_start3A_236 = arith.constant 0 : i32
    %dma_start3A_237 = tpu.memref_slice %arg5[%dma_start3A_232, %dma_start3A_236] : memref<26x128xi32, #tpu.memory_space<vmem>> -> memref<1x128xi32, #tpu.memory_space<vmem>>
    %dma_start3A_238 = tpu.memref_squeeze %dma_start3A_237 : memref<1x128xi32, #tpu.memory_space<vmem>> -> memref<128xi32, #tpu.memory_space<vmem>>
    %dma_start3A_239 = arith.constant 0 : i32
    %dma_start3A_240 = arith.constant 0 : i32
    %dma_start3A_241 = tpu.memref_slice %arg3[%dma_start3A_239, %dma_start3A_240] : memref<1000000x16xf32, #tpu.memory_space<hbm>> -> memref<1000000x16xf32, #tpu.memory_space<hbm>>
    tpu.enqueue_indirect_dma source(%dma_start3A_241 : memref<1000000x16xf32, #tpu.memory_space<hbm>>) target(%dma_start3A_235 : memref<128x16xf32, #tpu.memory_space<vmem>>) offsets(%dma_start3A_238 : memref<128xi32, #tpu.memory_space<vmem>>) semaphore(%arg8 : memref<!tpu.dma_semaphore, #tpu.memory_space<semaphore_mem>>)
    %dma_start3A_242 = arith.constant 24 : i32
    %dma_start3A_243 = arith.constant 3072 : i32
    %dma_start3A_244 = arith.constant 0 : i32
    %dma_start3A_245 = tpu.memref_slice %arg6[%dma_start3A_243, %dma_start3A_244] : memref<3328x16xf32, #tpu.memory_space<vmem>> -> memref<128x16xf32, #tpu.memory_space<vmem>>
    %dma_start3A_246 = arith.constant 0 : i32
    %dma_start3A_247 = tpu.memref_slice %arg5[%dma_start3A_242, %dma_start3A_246] : memref<26x128xi32, #tpu.memory_space<vmem>> -> memref<1x128xi32, #tpu.memory_space<vmem>>
    %dma_start3A_248 = tpu.memref_squeeze %dma_start3A_247 : memref<1x128xi32, #tpu.memory_space<vmem>> -> memref<128xi32, #tpu.memory_space<vmem>>
    %dma_start3A_249 = arith.constant 0 : i32
    %dma_start3A_250 = arith.constant 0 : i32
    %dma_start3A_251 = tpu.memref_slice %arg3[%dma_start3A_249, %dma_start3A_250] : memref<1000000x16xf32, #tpu.memory_space<hbm>> -> memref<1000000x16xf32, #tpu.memory_space<hbm>>
    tpu.enqueue_indirect_dma source(%dma_start3A_251 : memref<1000000x16xf32, #tpu.memory_space<hbm>>) target(%dma_start3A_245 : memref<128x16xf32, #tpu.memory_space<vmem>>) offsets(%dma_start3A_248 : memref<128xi32, #tpu.memory_space<vmem>>) semaphore(%arg8 : memref<!tpu.dma_semaphore, #tpu.memory_space<semaphore_mem>>)
    %dma_start3A_252 = arith.constant 25 : i32
    %dma_start3A_253 = arith.constant 3200 : i32
    %dma_start3A_254 = arith.constant 0 : i32
    %dma_start3A_255 = tpu.memref_slice %arg6[%dma_start3A_253, %dma_start3A_254] : memref<3328x16xf32, #tpu.memory_space<vmem>> -> memref<128x16xf32, #tpu.memory_space<vmem>>
    %dma_start3A_256 = arith.constant 0 : i32
    %dma_start3A_257 = tpu.memref_slice %arg5[%dma_start3A_252, %dma_start3A_256] : memref<26x128xi32, #tpu.memory_space<vmem>> -> memref<1x128xi32, #tpu.memory_space<vmem>>
    %dma_start3A_258 = tpu.memref_squeeze %dma_start3A_257 : memref<1x128xi32, #tpu.memory_space<vmem>> -> memref<128xi32, #tpu.memory_space<vmem>>
    %dma_start3A_259 = arith.constant 0 : i32
    %dma_start3A_260 = arith.constant 0 : i32
    %dma_start3A_261 = tpu.memref_slice %arg3[%dma_start3A_259, %dma_start3A_260] : memref<1000000x16xf32, #tpu.memory_space<hbm>> -> memref<1000000x16xf32, #tpu.memory_space<hbm>>
    tpu.enqueue_indirect_dma source(%dma_start3A_261 : memref<1000000x16xf32, #tpu.memory_space<hbm>>) target(%dma_start3A_255 : memref<128x16xf32, #tpu.memory_space<vmem>>) offsets(%dma_start3A_258 : memref<128xi32, #tpu.memory_space<vmem>>) semaphore(%arg8 : memref<!tpu.dma_semaphore, #tpu.memory_space<semaphore_mem>>)
    %dma_wait3A = arith.constant 0 : i32
    %dma_wait3A_262 = arith.constant 0 : i32
    %dma_wait3A_263 = arith.constant 0 : i32
    %dma_wait3A_264 = tpu.memref_slice %arg6[%dma_wait3A_262, %dma_wait3A_263] : memref<3328x16xf32, #tpu.memory_space<vmem>> -> memref<128x16xf32, #tpu.memory_space<vmem>>
    %dma_wait3A_265 = arith.constant 0 : i32
    %dma_wait3A_266 = tpu.memref_slice %arg5[%dma_wait3A, %dma_wait3A_265] : memref<26x128xi32, #tpu.memory_space<vmem>> -> memref<1x128xi32, #tpu.memory_space<vmem>>
    %dma_wait3A_267 = tpu.memref_squeeze %dma_wait3A_266 : memref<1x128xi32, #tpu.memory_space<vmem>> -> memref<128xi32, #tpu.memory_space<vmem>>
    %dma_wait3A_268 = arith.constant 0 : i32
    %dma_wait3A_269 = arith.constant 0 : i32
    %dma_wait3A_270 = tpu.memref_slice %arg3[%dma_wait3A_268, %dma_wait3A_269] : memref<1000000x16xf32, #tpu.memory_space<hbm>> -> memref<1000000x16xf32, #tpu.memory_space<hbm>>
    tpu.wait_indirect_dma semaphore(%arg8 : memref<!tpu.dma_semaphore, #tpu.memory_space<semaphore_mem>>) src(%dma_wait3A_270 : memref<1000000x16xf32, #tpu.memory_space<hbm>>) dst(%dma_wait3A_264 : memref<128x16xf32, #tpu.memory_space<vmem>>)
    %dma_wait3A_271 = arith.constant 1 : i32
    %dma_wait3A_272 = arith.constant 128 : i32
    %dma_wait3A_273 = arith.constant 0 : i32
    %dma_wait3A_274 = tpu.memref_slice %arg6[%dma_wait3A_272, %dma_wait3A_273] : memref<3328x16xf32, #tpu.memory_space<vmem>> -> memref<128x16xf32, #tpu.memory_space<vmem>>
    %dma_wait3A_275 = arith.constant 0 : i32
    %dma_wait3A_276 = tpu.memref_slice %arg5[%dma_wait3A_271, %dma_wait3A_275] : memref<26x128xi32, #tpu.memory_space<vmem>> -> memref<1x128xi32, #tpu.memory_space<vmem>>
    %dma_wait3A_277 = tpu.memref_squeeze %dma_wait3A_276 : memref<1x128xi32, #tpu.memory_space<vmem>> -> memref<128xi32, #tpu.memory_space<vmem>>
    %dma_wait3A_278 = arith.constant 0 : i32
    %dma_wait3A_279 = arith.constant 0 : i32
    %dma_wait3A_280 = tpu.memref_slice %arg3[%dma_wait3A_278, %dma_wait3A_279] : memref<1000000x16xf32, #tpu.memory_space<hbm>> -> memref<1000000x16xf32, #tpu.memory_space<hbm>>
    tpu.wait_indirect_dma semaphore(%arg8 : memref<!tpu.dma_semaphore, #tpu.memory_space<semaphore_mem>>) src(%dma_wait3A_280 : memref<1000000x16xf32, #tpu.memory_space<hbm>>) dst(%dma_wait3A_274 : memref<128x16xf32, #tpu.memory_space<vmem>>)
    %dma_wait3A_281 = arith.constant 2 : i32
    %dma_wait3A_282 = arith.constant 256 : i32
    %dma_wait3A_283 = arith.constant 0 : i32
    %dma_wait3A_284 = tpu.memref_slice %arg6[%dma_wait3A_282, %dma_wait3A_283] : memref<3328x16xf32, #tpu.memory_space<vmem>> -> memref<128x16xf32, #tpu.memory_space<vmem>>
    %dma_wait3A_285 = arith.constant 0 : i32
    %dma_wait3A_286 = tpu.memref_slice %arg5[%dma_wait3A_281, %dma_wait3A_285] : memref<26x128xi32, #tpu.memory_space<vmem>> -> memref<1x128xi32, #tpu.memory_space<vmem>>
    %dma_wait3A_287 = tpu.memref_squeeze %dma_wait3A_286 : memref<1x128xi32, #tpu.memory_space<vmem>> -> memref<128xi32, #tpu.memory_space<vmem>>
    %dma_wait3A_288 = arith.constant 0 : i32
    %dma_wait3A_289 = arith.constant 0 : i32
    %dma_wait3A_290 = tpu.memref_slice %arg3[%dma_wait3A_288, %dma_wait3A_289] : memref<1000000x16xf32, #tpu.memory_space<hbm>> -> memref<1000000x16xf32, #tpu.memory_space<hbm>>
    tpu.wait_indirect_dma semaphore(%arg8 : memref<!tpu.dma_semaphore, #tpu.memory_space<semaphore_mem>>) src(%dma_wait3A_290 : memref<1000000x16xf32, #tpu.memory_space<hbm>>) dst(%dma_wait3A_284 : memref<128x16xf32, #tpu.memory_space<vmem>>)
    %dma_wait3A_291 = arith.constant 3 : i32
    %dma_wait3A_292 = arith.constant 384 : i32
    %dma_wait3A_293 = arith.constant 0 : i32
    %dma_wait3A_294 = tpu.memref_slice %arg6[%dma_wait3A_292, %dma_wait3A_293] : memref<3328x16xf32, #tpu.memory_space<vmem>> -> memref<128x16xf32, #tpu.memory_space<vmem>>
    %dma_wait3A_295 = arith.constant 0 : i32
    %dma_wait3A_296 = tpu.memref_slice %arg5[%dma_wait3A_291, %dma_wait3A_295] : memref<26x128xi32, #tpu.memory_space<vmem>> -> memref<1x128xi32, #tpu.memory_space<vmem>>
    %dma_wait3A_297 = tpu.memref_squeeze %dma_wait3A_296 : memref<1x128xi32, #tpu.memory_space<vmem>> -> memref<128xi32, #tpu.memory_space<vmem>>
    %dma_wait3A_298 = arith.constant 0 : i32
    %dma_wait3A_299 = arith.constant 0 : i32
    %dma_wait3A_300 = tpu.memref_slice %arg3[%dma_wait3A_298, %dma_wait3A_299] : memref<1000000x16xf32, #tpu.memory_space<hbm>> -> memref<1000000x16xf32, #tpu.memory_space<hbm>>
    tpu.wait_indirect_dma semaphore(%arg8 : memref<!tpu.dma_semaphore, #tpu.memory_space<semaphore_mem>>) src(%dma_wait3A_300 : memref<1000000x16xf32, #tpu.memory_space<hbm>>) dst(%dma_wait3A_294 : memref<128x16xf32, #tpu.memory_space<vmem>>)
    %dma_wait3A_301 = arith.constant 4 : i32
    %dma_wait3A_302 = arith.constant 512 : i32
    %dma_wait3A_303 = arith.constant 0 : i32
    %dma_wait3A_304 = tpu.memref_slice %arg6[%dma_wait3A_302, %dma_wait3A_303] : memref<3328x16xf32, #tpu.memory_space<vmem>> -> memref<128x16xf32, #tpu.memory_space<vmem>>
    %dma_wait3A_305 = arith.constant 0 : i32
    %dma_wait3A_306 = tpu.memref_slice %arg5[%dma_wait3A_301, %dma_wait3A_305] : memref<26x128xi32, #tpu.memory_space<vmem>> -> memref<1x128xi32, #tpu.memory_space<vmem>>
    %dma_wait3A_307 = tpu.memref_squeeze %dma_wait3A_306 : memref<1x128xi32, #tpu.memory_space<vmem>> -> memref<128xi32, #tpu.memory_space<vmem>>
    %dma_wait3A_308 = arith.constant 0 : i32
    %dma_wait3A_309 = arith.constant 0 : i32
    %dma_wait3A_310 = tpu.memref_slice %arg3[%dma_wait3A_308, %dma_wait3A_309] : memref<1000000x16xf32, #tpu.memory_space<hbm>> -> memref<1000000x16xf32, #tpu.memory_space<hbm>>
    tpu.wait_indirect_dma semaphore(%arg8 : memref<!tpu.dma_semaphore, #tpu.memory_space<semaphore_mem>>) src(%dma_wait3A_310 : memref<1000000x16xf32, #tpu.memory_space<hbm>>) dst(%dma_wait3A_304 : memref<128x16xf32, #tpu.memory_space<vmem>>)
    %dma_wait3A_311 = arith.constant 5 : i32
    %dma_wait3A_312 = arith.constant 640 : i32
    %dma_wait3A_313 = arith.constant 0 : i32
    %dma_wait3A_314 = tpu.memref_slice %arg6[%dma_wait3A_312, %dma_wait3A_313] : memref<3328x16xf32, #tpu.memory_space<vmem>> -> memref<128x16xf32, #tpu.memory_space<vmem>>
    %dma_wait3A_315 = arith.constant 0 : i32
    %dma_wait3A_316 = tpu.memref_slice %arg5[%dma_wait3A_311, %dma_wait3A_315] : memref<26x128xi32, #tpu.memory_space<vmem>> -> memref<1x128xi32, #tpu.memory_space<vmem>>
    %dma_wait3A_317 = tpu.memref_squeeze %dma_wait3A_316 : memref<1x128xi32, #tpu.memory_space<vmem>> -> memref<128xi32, #tpu.memory_space<vmem>>
    %dma_wait3A_318 = arith.constant 0 : i32
    %dma_wait3A_319 = arith.constant 0 : i32
    %dma_wait3A_320 = tpu.memref_slice %arg3[%dma_wait3A_318, %dma_wait3A_319] : memref<1000000x16xf32, #tpu.memory_space<hbm>> -> memref<1000000x16xf32, #tpu.memory_space<hbm>>
    tpu.wait_indirect_dma semaphore(%arg8 : memref<!tpu.dma_semaphore, #tpu.memory_space<semaphore_mem>>) src(%dma_wait3A_320 : memref<1000000x16xf32, #tpu.memory_space<hbm>>) dst(%dma_wait3A_314 : memref<128x16xf32, #tpu.memory_space<vmem>>)
    %dma_wait3A_321 = arith.constant 6 : i32
    %dma_wait3A_322 = arith.constant 768 : i32
    %dma_wait3A_323 = arith.constant 0 : i32
    %dma_wait3A_324 = tpu.memref_slice %arg6[%dma_wait3A_322, %dma_wait3A_323] : memref<3328x16xf32, #tpu.memory_space<vmem>> -> memref<128x16xf32, #tpu.memory_space<vmem>>
    %dma_wait3A_325 = arith.constant 0 : i32
    %dma_wait3A_326 = tpu.memref_slice %arg5[%dma_wait3A_321, %dma_wait3A_325] : memref<26x128xi32, #tpu.memory_space<vmem>> -> memref<1x128xi32, #tpu.memory_space<vmem>>
    %dma_wait3A_327 = tpu.memref_squeeze %dma_wait3A_326 : memref<1x128xi32, #tpu.memory_space<vmem>> -> memref<128xi32, #tpu.memory_space<vmem>>
    %dma_wait3A_328 = arith.constant 0 : i32
    %dma_wait3A_329 = arith.constant 0 : i32
    %dma_wait3A_330 = tpu.memref_slice %arg3[%dma_wait3A_328, %dma_wait3A_329] : memref<1000000x16xf32, #tpu.memory_space<hbm>> -> memref<1000000x16xf32, #tpu.memory_space<hbm>>
    tpu.wait_indirect_dma semaphore(%arg8 : memref<!tpu.dma_semaphore, #tpu.memory_space<semaphore_mem>>) src(%dma_wait3A_330 : memref<1000000x16xf32, #tpu.memory_space<hbm>>) dst(%dma_wait3A_324 : memref<128x16xf32, #tpu.memory_space<vmem>>)
    %dma_wait3A_331 = arith.constant 7 : i32
    %dma_wait3A_332 = arith.constant 896 : i32
    %dma_wait3A_333 = arith.constant 0 : i32
    %dma_wait3A_334 = tpu.memref_slice %arg6[%dma_wait3A_332, %dma_wait3A_333] : memref<3328x16xf32, #tpu.memory_space<vmem>> -> memref<128x16xf32, #tpu.memory_space<vmem>>
    %dma_wait3A_335 = arith.constant 0 : i32
    %dma_wait3A_336 = tpu.memref_slice %arg5[%dma_wait3A_331, %dma_wait3A_335] : memref<26x128xi32, #tpu.memory_space<vmem>> -> memref<1x128xi32, #tpu.memory_space<vmem>>
    %dma_wait3A_337 = tpu.memref_squeeze %dma_wait3A_336 : memref<1x128xi32, #tpu.memory_space<vmem>> -> memref<128xi32, #tpu.memory_space<vmem>>
    %dma_wait3A_338 = arith.constant 0 : i32
    %dma_wait3A_339 = arith.constant 0 : i32
    %dma_wait3A_340 = tpu.memref_slice %arg3[%dma_wait3A_338, %dma_wait3A_339] : memref<1000000x16xf32, #tpu.memory_space<hbm>> -> memref<1000000x16xf32, #tpu.memory_space<hbm>>
    tpu.wait_indirect_dma semaphore(%arg8 : memref<!tpu.dma_semaphore, #tpu.memory_space<semaphore_mem>>) src(%dma_wait3A_340 : memref<1000000x16xf32, #tpu.memory_space<hbm>>) dst(%dma_wait3A_334 : memref<128x16xf32, #tpu.memory_space<vmem>>)
    %dma_wait3A_341 = arith.constant 8 : i32
    %dma_wait3A_342 = arith.constant 1024 : i32
    %dma_wait3A_343 = arith.constant 0 : i32
    %dma_wait3A_344 = tpu.memref_slice %arg6[%dma_wait3A_342, %dma_wait3A_343] : memref<3328x16xf32, #tpu.memory_space<vmem>> -> memref<128x16xf32, #tpu.memory_space<vmem>>
    %dma_wait3A_345 = arith.constant 0 : i32
    %dma_wait3A_346 = tpu.memref_slice %arg5[%dma_wait3A_341, %dma_wait3A_345] : memref<26x128xi32, #tpu.memory_space<vmem>> -> memref<1x128xi32, #tpu.memory_space<vmem>>
    %dma_wait3A_347 = tpu.memref_squeeze %dma_wait3A_346 : memref<1x128xi32, #tpu.memory_space<vmem>> -> memref<128xi32, #tpu.memory_space<vmem>>
    %dma_wait3A_348 = arith.constant 0 : i32
    %dma_wait3A_349 = arith.constant 0 : i32
    %dma_wait3A_350 = tpu.memref_slice %arg3[%dma_wait3A_348, %dma_wait3A_349] : memref<1000000x16xf32, #tpu.memory_space<hbm>> -> memref<1000000x16xf32, #tpu.memory_space<hbm>>
    tpu.wait_indirect_dma semaphore(%arg8 : memref<!tpu.dma_semaphore, #tpu.memory_space<semaphore_mem>>) src(%dma_wait3A_350 : memref<1000000x16xf32, #tpu.memory_space<hbm>>) dst(%dma_wait3A_344 : memref<128x16xf32, #tpu.memory_space<vmem>>)
    %dma_wait3A_351 = arith.constant 9 : i32
    %dma_wait3A_352 = arith.constant 1152 : i32
    %dma_wait3A_353 = arith.constant 0 : i32
    %dma_wait3A_354 = tpu.memref_slice %arg6[%dma_wait3A_352, %dma_wait3A_353] : memref<3328x16xf32, #tpu.memory_space<vmem>> -> memref<128x16xf32, #tpu.memory_space<vmem>>
    %dma_wait3A_355 = arith.constant 0 : i32
    %dma_wait3A_356 = tpu.memref_slice %arg5[%dma_wait3A_351, %dma_wait3A_355] : memref<26x128xi32, #tpu.memory_space<vmem>> -> memref<1x128xi32, #tpu.memory_space<vmem>>
    %dma_wait3A_357 = tpu.memref_squeeze %dma_wait3A_356 : memref<1x128xi32, #tpu.memory_space<vmem>> -> memref<128xi32, #tpu.memory_space<vmem>>
    %dma_wait3A_358 = arith.constant 0 : i32
    %dma_wait3A_359 = arith.constant 0 : i32
    %dma_wait3A_360 = tpu.memref_slice %arg3[%dma_wait3A_358, %dma_wait3A_359] : memref<1000000x16xf32, #tpu.memory_space<hbm>> -> memref<1000000x16xf32, #tpu.memory_space<hbm>>
    tpu.wait_indirect_dma semaphore(%arg8 : memref<!tpu.dma_semaphore, #tpu.memory_space<semaphore_mem>>) src(%dma_wait3A_360 : memref<1000000x16xf32, #tpu.memory_space<hbm>>) dst(%dma_wait3A_354 : memref<128x16xf32, #tpu.memory_space<vmem>>)
    %dma_wait3A_361 = arith.constant 10 : i32
    %dma_wait3A_362 = arith.constant 1280 : i32
    %dma_wait3A_363 = arith.constant 0 : i32
    %dma_wait3A_364 = tpu.memref_slice %arg6[%dma_wait3A_362, %dma_wait3A_363] : memref<3328x16xf32, #tpu.memory_space<vmem>> -> memref<128x16xf32, #tpu.memory_space<vmem>>
    %dma_wait3A_365 = arith.constant 0 : i32
    %dma_wait3A_366 = tpu.memref_slice %arg5[%dma_wait3A_361, %dma_wait3A_365] : memref<26x128xi32, #tpu.memory_space<vmem>> -> memref<1x128xi32, #tpu.memory_space<vmem>>
    %dma_wait3A_367 = tpu.memref_squeeze %dma_wait3A_366 : memref<1x128xi32, #tpu.memory_space<vmem>> -> memref<128xi32, #tpu.memory_space<vmem>>
    %dma_wait3A_368 = arith.constant 0 : i32
    %dma_wait3A_369 = arith.constant 0 : i32
    %dma_wait3A_370 = tpu.memref_slice %arg3[%dma_wait3A_368, %dma_wait3A_369] : memref<1000000x16xf32, #tpu.memory_space<hbm>> -> memref<1000000x16xf32, #tpu.memory_space<hbm>>
    tpu.wait_indirect_dma semaphore(%arg8 : memref<!tpu.dma_semaphore, #tpu.memory_space<semaphore_mem>>) src(%dma_wait3A_370 : memref<1000000x16xf32, #tpu.memory_space<hbm>>) dst(%dma_wait3A_364 : memref<128x16xf32, #tpu.memory_space<vmem>>)
    %dma_wait3A_371 = arith.constant 11 : i32
    %dma_wait3A_372 = arith.constant 1408 : i32
    %dma_wait3A_373 = arith.constant 0 : i32
    %dma_wait3A_374 = tpu.memref_slice %arg6[%dma_wait3A_372, %dma_wait3A_373] : memref<3328x16xf32, #tpu.memory_space<vmem>> -> memref<128x16xf32, #tpu.memory_space<vmem>>
    %dma_wait3A_375 = arith.constant 0 : i32
    %dma_wait3A_376 = tpu.memref_slice %arg5[%dma_wait3A_371, %dma_wait3A_375] : memref<26x128xi32, #tpu.memory_space<vmem>> -> memref<1x128xi32, #tpu.memory_space<vmem>>
    %dma_wait3A_377 = tpu.memref_squeeze %dma_wait3A_376 : memref<1x128xi32, #tpu.memory_space<vmem>> -> memref<128xi32, #tpu.memory_space<vmem>>
    %dma_wait3A_378 = arith.constant 0 : i32
    %dma_wait3A_379 = arith.constant 0 : i32
    %dma_wait3A_380 = tpu.memref_slice %arg3[%dma_wait3A_378, %dma_wait3A_379] : memref<1000000x16xf32, #tpu.memory_space<hbm>> -> memref<1000000x16xf32, #tpu.memory_space<hbm>>
    tpu.wait_indirect_dma semaphore(%arg8 : memref<!tpu.dma_semaphore, #tpu.memory_space<semaphore_mem>>) src(%dma_wait3A_380 : memref<1000000x16xf32, #tpu.memory_space<hbm>>) dst(%dma_wait3A_374 : memref<128x16xf32, #tpu.memory_space<vmem>>)
    %dma_wait3A_381 = arith.constant 12 : i32
    %dma_wait3A_382 = arith.constant 1536 : i32
    %dma_wait3A_383 = arith.constant 0 : i32
    %dma_wait3A_384 = tpu.memref_slice %arg6[%dma_wait3A_382, %dma_wait3A_383] : memref<3328x16xf32, #tpu.memory_space<vmem>> -> memref<128x16xf32, #tpu.memory_space<vmem>>
    %dma_wait3A_385 = arith.constant 0 : i32
    %dma_wait3A_386 = tpu.memref_slice %arg5[%dma_wait3A_381, %dma_wait3A_385] : memref<26x128xi32, #tpu.memory_space<vmem>> -> memref<1x128xi32, #tpu.memory_space<vmem>>
    %dma_wait3A_387 = tpu.memref_squeeze %dma_wait3A_386 : memref<1x128xi32, #tpu.memory_space<vmem>> -> memref<128xi32, #tpu.memory_space<vmem>>
    %dma_wait3A_388 = arith.constant 0 : i32
    %dma_wait3A_389 = arith.constant 0 : i32
    %dma_wait3A_390 = tpu.memref_slice %arg3[%dma_wait3A_388, %dma_wait3A_389] : memref<1000000x16xf32, #tpu.memory_space<hbm>> -> memref<1000000x16xf32, #tpu.memory_space<hbm>>
    tpu.wait_indirect_dma semaphore(%arg8 : memref<!tpu.dma_semaphore, #tpu.memory_space<semaphore_mem>>) src(%dma_wait3A_390 : memref<1000000x16xf32, #tpu.memory_space<hbm>>) dst(%dma_wait3A_384 : memref<128x16xf32, #tpu.memory_space<vmem>>)
    %dma_wait3A_391 = arith.constant 13 : i32
    %dma_wait3A_392 = arith.constant 1664 : i32
    %dma_wait3A_393 = arith.constant 0 : i32
    %dma_wait3A_394 = tpu.memref_slice %arg6[%dma_wait3A_392, %dma_wait3A_393] : memref<3328x16xf32, #tpu.memory_space<vmem>> -> memref<128x16xf32, #tpu.memory_space<vmem>>
    %dma_wait3A_395 = arith.constant 0 : i32
    %dma_wait3A_396 = tpu.memref_slice %arg5[%dma_wait3A_391, %dma_wait3A_395] : memref<26x128xi32, #tpu.memory_space<vmem>> -> memref<1x128xi32, #tpu.memory_space<vmem>>
    %dma_wait3A_397 = tpu.memref_squeeze %dma_wait3A_396 : memref<1x128xi32, #tpu.memory_space<vmem>> -> memref<128xi32, #tpu.memory_space<vmem>>
    %dma_wait3A_398 = arith.constant 0 : i32
    %dma_wait3A_399 = arith.constant 0 : i32
    %dma_wait3A_400 = tpu.memref_slice %arg3[%dma_wait3A_398, %dma_wait3A_399] : memref<1000000x16xf32, #tpu.memory_space<hbm>> -> memref<1000000x16xf32, #tpu.memory_space<hbm>>
    tpu.wait_indirect_dma semaphore(%arg8 : memref<!tpu.dma_semaphore, #tpu.memory_space<semaphore_mem>>) src(%dma_wait3A_400 : memref<1000000x16xf32, #tpu.memory_space<hbm>>) dst(%dma_wait3A_394 : memref<128x16xf32, #tpu.memory_space<vmem>>)
    %dma_wait3A_401 = arith.constant 14 : i32
    %dma_wait3A_402 = arith.constant 1792 : i32
    %dma_wait3A_403 = arith.constant 0 : i32
    %dma_wait3A_404 = tpu.memref_slice %arg6[%dma_wait3A_402, %dma_wait3A_403] : memref<3328x16xf32, #tpu.memory_space<vmem>> -> memref<128x16xf32, #tpu.memory_space<vmem>>
    %dma_wait3A_405 = arith.constant 0 : i32
    %dma_wait3A_406 = tpu.memref_slice %arg5[%dma_wait3A_401, %dma_wait3A_405] : memref<26x128xi32, #tpu.memory_space<vmem>> -> memref<1x128xi32, #tpu.memory_space<vmem>>
    %dma_wait3A_407 = tpu.memref_squeeze %dma_wait3A_406 : memref<1x128xi32, #tpu.memory_space<vmem>> -> memref<128xi32, #tpu.memory_space<vmem>>
    %dma_wait3A_408 = arith.constant 0 : i32
    %dma_wait3A_409 = arith.constant 0 : i32
    %dma_wait3A_410 = tpu.memref_slice %arg3[%dma_wait3A_408, %dma_wait3A_409] : memref<1000000x16xf32, #tpu.memory_space<hbm>> -> memref<1000000x16xf32, #tpu.memory_space<hbm>>
    tpu.wait_indirect_dma semaphore(%arg8 : memref<!tpu.dma_semaphore, #tpu.memory_space<semaphore_mem>>) src(%dma_wait3A_410 : memref<1000000x16xf32, #tpu.memory_space<hbm>>) dst(%dma_wait3A_404 : memref<128x16xf32, #tpu.memory_space<vmem>>)
    %dma_wait3A_411 = arith.constant 15 : i32
    %dma_wait3A_412 = arith.constant 1920 : i32
    %dma_wait3A_413 = arith.constant 0 : i32
    %dma_wait3A_414 = tpu.memref_slice %arg6[%dma_wait3A_412, %dma_wait3A_413] : memref<3328x16xf32, #tpu.memory_space<vmem>> -> memref<128x16xf32, #tpu.memory_space<vmem>>
    %dma_wait3A_415 = arith.constant 0 : i32
    %dma_wait3A_416 = tpu.memref_slice %arg5[%dma_wait3A_411, %dma_wait3A_415] : memref<26x128xi32, #tpu.memory_space<vmem>> -> memref<1x128xi32, #tpu.memory_space<vmem>>
    %dma_wait3A_417 = tpu.memref_squeeze %dma_wait3A_416 : memref<1x128xi32, #tpu.memory_space<vmem>> -> memref<128xi32, #tpu.memory_space<vmem>>
    %dma_wait3A_418 = arith.constant 0 : i32
    %dma_wait3A_419 = arith.constant 0 : i32
    %dma_wait3A_420 = tpu.memref_slice %arg3[%dma_wait3A_418, %dma_wait3A_419] : memref<1000000x16xf32, #tpu.memory_space<hbm>> -> memref<1000000x16xf32, #tpu.memory_space<hbm>>
    tpu.wait_indirect_dma semaphore(%arg8 : memref<!tpu.dma_semaphore, #tpu.memory_space<semaphore_mem>>) src(%dma_wait3A_420 : memref<1000000x16xf32, #tpu.memory_space<hbm>>) dst(%dma_wait3A_414 : memref<128x16xf32, #tpu.memory_space<vmem>>)
    %dma_wait3A_421 = arith.constant 16 : i32
    %dma_wait3A_422 = arith.constant 2048 : i32
    %dma_wait3A_423 = arith.constant 0 : i32
    %dma_wait3A_424 = tpu.memref_slice %arg6[%dma_wait3A_422, %dma_wait3A_423] : memref<3328x16xf32, #tpu.memory_space<vmem>> -> memref<128x16xf32, #tpu.memory_space<vmem>>
    %dma_wait3A_425 = arith.constant 0 : i32
    %dma_wait3A_426 = tpu.memref_slice %arg5[%dma_wait3A_421, %dma_wait3A_425] : memref<26x128xi32, #tpu.memory_space<vmem>> -> memref<1x128xi32, #tpu.memory_space<vmem>>
    %dma_wait3A_427 = tpu.memref_squeeze %dma_wait3A_426 : memref<1x128xi32, #tpu.memory_space<vmem>> -> memref<128xi32, #tpu.memory_space<vmem>>
    %dma_wait3A_428 = arith.constant 0 : i32
    %dma_wait3A_429 = arith.constant 0 : i32
    %dma_wait3A_430 = tpu.memref_slice %arg3[%dma_wait3A_428, %dma_wait3A_429] : memref<1000000x16xf32, #tpu.memory_space<hbm>> -> memref<1000000x16xf32, #tpu.memory_space<hbm>>
    tpu.wait_indirect_dma semaphore(%arg8 : memref<!tpu.dma_semaphore, #tpu.memory_space<semaphore_mem>>) src(%dma_wait3A_430 : memref<1000000x16xf32, #tpu.memory_space<hbm>>) dst(%dma_wait3A_424 : memref<128x16xf32, #tpu.memory_space<vmem>>)
    %dma_wait3A_431 = arith.constant 17 : i32
    %dma_wait3A_432 = arith.constant 2176 : i32
    %dma_wait3A_433 = arith.constant 0 : i32
    %dma_wait3A_434 = tpu.memref_slice %arg6[%dma_wait3A_432, %dma_wait3A_433] : memref<3328x16xf32, #tpu.memory_space<vmem>> -> memref<128x16xf32, #tpu.memory_space<vmem>>
    %dma_wait3A_435 = arith.constant 0 : i32
    %dma_wait3A_436 = tpu.memref_slice %arg5[%dma_wait3A_431, %dma_wait3A_435] : memref<26x128xi32, #tpu.memory_space<vmem>> -> memref<1x128xi32, #tpu.memory_space<vmem>>
    %dma_wait3A_437 = tpu.memref_squeeze %dma_wait3A_436 : memref<1x128xi32, #tpu.memory_space<vmem>> -> memref<128xi32, #tpu.memory_space<vmem>>
    %dma_wait3A_438 = arith.constant 0 : i32
    %dma_wait3A_439 = arith.constant 0 : i32
    %dma_wait3A_440 = tpu.memref_slice %arg3[%dma_wait3A_438, %dma_wait3A_439] : memref<1000000x16xf32, #tpu.memory_space<hbm>> -> memref<1000000x16xf32, #tpu.memory_space<hbm>>
    tpu.wait_indirect_dma semaphore(%arg8 : memref<!tpu.dma_semaphore, #tpu.memory_space<semaphore_mem>>) src(%dma_wait3A_440 : memref<1000000x16xf32, #tpu.memory_space<hbm>>) dst(%dma_wait3A_434 : memref<128x16xf32, #tpu.memory_space<vmem>>)
    %dma_wait3A_441 = arith.constant 18 : i32
    %dma_wait3A_442 = arith.constant 2304 : i32
    %dma_wait3A_443 = arith.constant 0 : i32
    %dma_wait3A_444 = tpu.memref_slice %arg6[%dma_wait3A_442, %dma_wait3A_443] : memref<3328x16xf32, #tpu.memory_space<vmem>> -> memref<128x16xf32, #tpu.memory_space<vmem>>
    %dma_wait3A_445 = arith.constant 0 : i32
    %dma_wait3A_446 = tpu.memref_slice %arg5[%dma_wait3A_441, %dma_wait3A_445] : memref<26x128xi32, #tpu.memory_space<vmem>> -> memref<1x128xi32, #tpu.memory_space<vmem>>
    %dma_wait3A_447 = tpu.memref_squeeze %dma_wait3A_446 : memref<1x128xi32, #tpu.memory_space<vmem>> -> memref<128xi32, #tpu.memory_space<vmem>>
    %dma_wait3A_448 = arith.constant 0 : i32
    %dma_wait3A_449 = arith.constant 0 : i32
    %dma_wait3A_450 = tpu.memref_slice %arg3[%dma_wait3A_448, %dma_wait3A_449] : memref<1000000x16xf32, #tpu.memory_space<hbm>> -> memref<1000000x16xf32, #tpu.memory_space<hbm>>
    tpu.wait_indirect_dma semaphore(%arg8 : memref<!tpu.dma_semaphore, #tpu.memory_space<semaphore_mem>>) src(%dma_wait3A_450 : memref<1000000x16xf32, #tpu.memory_space<hbm>>) dst(%dma_wait3A_444 : memref<128x16xf32, #tpu.memory_space<vmem>>)
    %dma_wait3A_451 = arith.constant 19 : i32
    %dma_wait3A_452 = arith.constant 2432 : i32
    %dma_wait3A_453 = arith.constant 0 : i32
    %dma_wait3A_454 = tpu.memref_slice %arg6[%dma_wait3A_452, %dma_wait3A_453] : memref<3328x16xf32, #tpu.memory_space<vmem>> -> memref<128x16xf32, #tpu.memory_space<vmem>>
    %dma_wait3A_455 = arith.constant 0 : i32
    %dma_wait3A_456 = tpu.memref_slice %arg5[%dma_wait3A_451, %dma_wait3A_455] : memref<26x128xi32, #tpu.memory_space<vmem>> -> memref<1x128xi32, #tpu.memory_space<vmem>>
    %dma_wait3A_457 = tpu.memref_squeeze %dma_wait3A_456 : memref<1x128xi32, #tpu.memory_space<vmem>> -> memref<128xi32, #tpu.memory_space<vmem>>
    %dma_wait3A_458 = arith.constant 0 : i32
    %dma_wait3A_459 = arith.constant 0 : i32
    %dma_wait3A_460 = tpu.memref_slice %arg3[%dma_wait3A_458, %dma_wait3A_459] : memref<1000000x16xf32, #tpu.memory_space<hbm>> -> memref<1000000x16xf32, #tpu.memory_space<hbm>>
    tpu.wait_indirect_dma semaphore(%arg8 : memref<!tpu.dma_semaphore, #tpu.memory_space<semaphore_mem>>) src(%dma_wait3A_460 : memref<1000000x16xf32, #tpu.memory_space<hbm>>) dst(%dma_wait3A_454 : memref<128x16xf32, #tpu.memory_space<vmem>>)
    %dma_wait3A_461 = arith.constant 20 : i32
    %dma_wait3A_462 = arith.constant 2560 : i32
    %dma_wait3A_463 = arith.constant 0 : i32
    %dma_wait3A_464 = tpu.memref_slice %arg6[%dma_wait3A_462, %dma_wait3A_463] : memref<3328x16xf32, #tpu.memory_space<vmem>> -> memref<128x16xf32, #tpu.memory_space<vmem>>
    %dma_wait3A_465 = arith.constant 0 : i32
    %dma_wait3A_466 = tpu.memref_slice %arg5[%dma_wait3A_461, %dma_wait3A_465] : memref<26x128xi32, #tpu.memory_space<vmem>> -> memref<1x128xi32, #tpu.memory_space<vmem>>
    %dma_wait3A_467 = tpu.memref_squeeze %dma_wait3A_466 : memref<1x128xi32, #tpu.memory_space<vmem>> -> memref<128xi32, #tpu.memory_space<vmem>>
    %dma_wait3A_468 = arith.constant 0 : i32
    %dma_wait3A_469 = arith.constant 0 : i32
    %dma_wait3A_470 = tpu.memref_slice %arg3[%dma_wait3A_468, %dma_wait3A_469] : memref<1000000x16xf32, #tpu.memory_space<hbm>> -> memref<1000000x16xf32, #tpu.memory_space<hbm>>
    tpu.wait_indirect_dma semaphore(%arg8 : memref<!tpu.dma_semaphore, #tpu.memory_space<semaphore_mem>>) src(%dma_wait3A_470 : memref<1000000x16xf32, #tpu.memory_space<hbm>>) dst(%dma_wait3A_464 : memref<128x16xf32, #tpu.memory_space<vmem>>)
    %dma_wait3A_471 = arith.constant 21 : i32
    %dma_wait3A_472 = arith.constant 2688 : i32
    %dma_wait3A_473 = arith.constant 0 : i32
    %dma_wait3A_474 = tpu.memref_slice %arg6[%dma_wait3A_472, %dma_wait3A_473] : memref<3328x16xf32, #tpu.memory_space<vmem>> -> memref<128x16xf32, #tpu.memory_space<vmem>>
    %dma_wait3A_475 = arith.constant 0 : i32
    %dma_wait3A_476 = tpu.memref_slice %arg5[%dma_wait3A_471, %dma_wait3A_475] : memref<26x128xi32, #tpu.memory_space<vmem>> -> memref<1x128xi32, #tpu.memory_space<vmem>>
    %dma_wait3A_477 = tpu.memref_squeeze %dma_wait3A_476 : memref<1x128xi32, #tpu.memory_space<vmem>> -> memref<128xi32, #tpu.memory_space<vmem>>
    %dma_wait3A_478 = arith.constant 0 : i32
    %dma_wait3A_479 = arith.constant 0 : i32
    %dma_wait3A_480 = tpu.memref_slice %arg3[%dma_wait3A_478, %dma_wait3A_479] : memref<1000000x16xf32, #tpu.memory_space<hbm>> -> memref<1000000x16xf32, #tpu.memory_space<hbm>>
    tpu.wait_indirect_dma semaphore(%arg8 : memref<!tpu.dma_semaphore, #tpu.memory_space<semaphore_mem>>) src(%dma_wait3A_480 : memref<1000000x16xf32, #tpu.memory_space<hbm>>) dst(%dma_wait3A_474 : memref<128x16xf32, #tpu.memory_space<vmem>>)
    %dma_wait3A_481 = arith.constant 22 : i32
    %dma_wait3A_482 = arith.constant 2816 : i32
    %dma_wait3A_483 = arith.constant 0 : i32
    %dma_wait3A_484 = tpu.memref_slice %arg6[%dma_wait3A_482, %dma_wait3A_483] : memref<3328x16xf32, #tpu.memory_space<vmem>> -> memref<128x16xf32, #tpu.memory_space<vmem>>
    %dma_wait3A_485 = arith.constant 0 : i32
    %dma_wait3A_486 = tpu.memref_slice %arg5[%dma_wait3A_481, %dma_wait3A_485] : memref<26x128xi32, #tpu.memory_space<vmem>> -> memref<1x128xi32, #tpu.memory_space<vmem>>
    %dma_wait3A_487 = tpu.memref_squeeze %dma_wait3A_486 : memref<1x128xi32, #tpu.memory_space<vmem>> -> memref<128xi32, #tpu.memory_space<vmem>>
    %dma_wait3A_488 = arith.constant 0 : i32
    %dma_wait3A_489 = arith.constant 0 : i32
    %dma_wait3A_490 = tpu.memref_slice %arg3[%dma_wait3A_488, %dma_wait3A_489] : memref<1000000x16xf32, #tpu.memory_space<hbm>> -> memref<1000000x16xf32, #tpu.memory_space<hbm>>
    tpu.wait_indirect_dma semaphore(%arg8 : memref<!tpu.dma_semaphore, #tpu.memory_space<semaphore_mem>>) src(%dma_wait3A_490 : memref<1000000x16xf32, #tpu.memory_space<hbm>>) dst(%dma_wait3A_484 : memref<128x16xf32, #tpu.memory_space<vmem>>)
    %dma_wait3A_491 = arith.constant 23 : i32
    %dma_wait3A_492 = arith.constant 2944 : i32
    %dma_wait3A_493 = arith.constant 0 : i32
    %dma_wait3A_494 = tpu.memref_slice %arg6[%dma_wait3A_492, %dma_wait3A_493] : memref<3328x16xf32, #tpu.memory_space<vmem>> -> memref<128x16xf32, #tpu.memory_space<vmem>>
    %dma_wait3A_495 = arith.constant 0 : i32
    %dma_wait3A_496 = tpu.memref_slice %arg5[%dma_wait3A_491, %dma_wait3A_495] : memref<26x128xi32, #tpu.memory_space<vmem>> -> memref<1x128xi32, #tpu.memory_space<vmem>>
    %dma_wait3A_497 = tpu.memref_squeeze %dma_wait3A_496 : memref<1x128xi32, #tpu.memory_space<vmem>> -> memref<128xi32, #tpu.memory_space<vmem>>
    %dma_wait3A_498 = arith.constant 0 : i32
    %dma_wait3A_499 = arith.constant 0 : i32
    %dma_wait3A_500 = tpu.memref_slice %arg3[%dma_wait3A_498, %dma_wait3A_499] : memref<1000000x16xf32, #tpu.memory_space<hbm>> -> memref<1000000x16xf32, #tpu.memory_space<hbm>>
    tpu.wait_indirect_dma semaphore(%arg8 : memref<!tpu.dma_semaphore, #tpu.memory_space<semaphore_mem>>) src(%dma_wait3A_500 : memref<1000000x16xf32, #tpu.memory_space<hbm>>) dst(%dma_wait3A_494 : memref<128x16xf32, #tpu.memory_space<vmem>>)
    %dma_wait3A_501 = arith.constant 24 : i32
    %dma_wait3A_502 = arith.constant 3072 : i32
    %dma_wait3A_503 = arith.constant 0 : i32
    %dma_wait3A_504 = tpu.memref_slice %arg6[%dma_wait3A_502, %dma_wait3A_503] : memref<3328x16xf32, #tpu.memory_space<vmem>> -> memref<128x16xf32, #tpu.memory_space<vmem>>
    %dma_wait3A_505 = arith.constant 0 : i32
    %dma_wait3A_506 = tpu.memref_slice %arg5[%dma_wait3A_501, %dma_wait3A_505] : memref<26x128xi32, #tpu.memory_space<vmem>> -> memref<1x128xi32, #tpu.memory_space<vmem>>
    %dma_wait3A_507 = tpu.memref_squeeze %dma_wait3A_506 : memref<1x128xi32, #tpu.memory_space<vmem>> -> memref<128xi32, #tpu.memory_space<vmem>>
    %dma_wait3A_508 = arith.constant 0 : i32
    %dma_wait3A_509 = arith.constant 0 : i32
    %dma_wait3A_510 = tpu.memref_slice %arg3[%dma_wait3A_508, %dma_wait3A_509] : memref<1000000x16xf32, #tpu.memory_space<hbm>> -> memref<1000000x16xf32, #tpu.memory_space<hbm>>
    tpu.wait_indirect_dma semaphore(%arg8 : memref<!tpu.dma_semaphore, #tpu.memory_space<semaphore_mem>>) src(%dma_wait3A_510 : memref<1000000x16xf32, #tpu.memory_space<hbm>>) dst(%dma_wait3A_504 : memref<128x16xf32, #tpu.memory_space<vmem>>)
    %dma_wait3A_511 = arith.constant 25 : i32
    %dma_wait3A_512 = arith.constant 3200 : i32
    %dma_wait3A_513 = arith.constant 0 : i32
    %dma_wait3A_514 = tpu.memref_slice %arg6[%dma_wait3A_512, %dma_wait3A_513] : memref<3328x16xf32, #tpu.memory_space<vmem>> -> memref<128x16xf32, #tpu.memory_space<vmem>>
    %dma_wait3A_515 = arith.constant 0 : i32
    %dma_wait3A_516 = tpu.memref_slice %arg5[%dma_wait3A_511, %dma_wait3A_515] : memref<26x128xi32, #tpu.memory_space<vmem>> -> memref<1x128xi32, #tpu.memory_space<vmem>>
    %dma_wait3A_517 = tpu.memref_squeeze %dma_wait3A_516 : memref<1x128xi32, #tpu.memory_space<vmem>> -> memref<128xi32, #tpu.memory_space<vmem>>
    %dma_wait3A_518 = arith.constant 0 : i32
    %dma_wait3A_519 = arith.constant 0 : i32
    %dma_wait3A_520 = tpu.memref_slice %arg3[%dma_wait3A_518, %dma_wait3A_519] : memref<1000000x16xf32, #tpu.memory_space<hbm>> -> memref<1000000x16xf32, #tpu.memory_space<hbm>>
    tpu.wait_indirect_dma semaphore(%arg8 : memref<!tpu.dma_semaphore, #tpu.memory_space<semaphore_mem>>) src(%dma_wait3A_520 : memref<1000000x16xf32, #tpu.memory_space<hbm>>) dst(%dma_wait3A_514 : memref<128x16xf32, #tpu.memory_space<vmem>>)
    %scan3A = arith.constant 0 : i32
    %scan3A_521 = arith.constant 0 : i32
    %scan3A_522 = arith.constant 128 : i32
    %scan3A_523 = arith.addi %scan3A_521, %scan3A_522 : i32
    %scan3A_524 = arith.constant 1 : i32
    %scan3A_525 = scf.for %scan3A_527 = %scan3A_521 to %scan3A_523 step %scan3A_524 iter_args(%scan3A_528 = %scan3A) -> (i32)  : i32 {
      %mul3A_529 = arith.constant 26 : i32
      %mul3A_530 = arith.muli %scan3A_527, %mul3A_529 : i32
      %get3A = arith.index_cast %mul3A_530 : i32 to index
      %get3A_531 = arith.constant 0 : index
      %get3A_532 = tpu.vector_load %arg6[%get3A, %get3A_531] {strides = array<i32>} : memref<3328x16xf32, #tpu.memory_space<vmem>>, vector<1x16xf32>,
      %get3A_533 = vector.shape_cast %get3A_532 : vector<1x16xf32> to vector<16xf32>
      %add3A_534 = arith.constant 1 : i32
      %add3A_535 = arith.addi %mul3A_530, %add3A_534 : i32
      %get3A_536 = arith.index_cast %add3A_535 : i32 to index
      %get3A_537 = arith.constant 0 : index
      %get3A_538 = tpu.vector_load %arg6[%get3A_536, %get3A_537] {strides = array<i32>} : memref<3328x16xf32, #tpu.memory_space<vmem>>, vector<1x16xf32>,
      %get3A_539 = vector.shape_cast %get3A_538 : vector<1x16xf32> to vector<16xf32>
      %add3A_540 = arith.addf %get3A_533, %get3A_539 : vector<16xf32>
      %add3A_541 = arith.constant 2 : i32
      %add3A_542 = arith.addi %mul3A_530, %add3A_541 : i32
      %get3A_543 = arith.index_cast %add3A_542 : i32 to index
      %get3A_544 = arith.constant 0 : index
      %get3A_545 = tpu.vector_load %arg6[%get3A_543, %get3A_544] {strides = array<i32>} : memref<3328x16xf32, #tpu.memory_space<vmem>>, vector<1x16xf32>,
      %get3A_546 = vector.shape_cast %get3A_545 : vector<1x16xf32> to vector<16xf32>
      %add3A_547 = arith.addf %add3A_540, %get3A_546 : vector<16xf32>
      %add3A_548 = arith.constant 3 : i32
      %add3A_549 = arith.addi %mul3A_530, %add3A_548 : i32
      %get3A_550 = arith.index_cast %add3A_549 : i32 to index
      %get3A_551 = arith.constant 0 : index
      %get3A_552 = tpu.vector_load %arg6[%get3A_550, %get3A_551] {strides = array<i32>} : memref<3328x16xf32, #tpu.memory_space<vmem>>, vector<1x16xf32>,
      %get3A_553 = vector.shape_cast %get3A_552 : vector<1x16xf32> to vector<16xf32>
      %add3A_554 = arith.addf %add3A_547, %get3A_553 : vector<16xf32>
      %add3A_555 = arith.constant 4 : i32
      %add3A_556 = arith.addi %mul3A_530, %add3A_555 : i32
      %get3A_557 = arith.index_cast %add3A_556 : i32 to index
      %get3A_558 = arith.constant 0 : index
      %get3A_559 = tpu.vector_load %arg6[%get3A_557, %get3A_558] {strides = array<i32>} : memref<3328x16xf32, #tpu.memory_space<vmem>>, vector<1x16xf32>,
      %get3A_560 = vector.shape_cast %get3A_559 : vector<1x16xf32> to vector<16xf32>
      %add3A_561 = arith.addf %add3A_554, %get3A_560 : vector<16xf32>
      %add3A_562 = arith.constant 5 : i32
      %add3A_563 = arith.addi %mul3A_530, %add3A_562 : i32
      %get3A_564 = arith.index_cast %add3A_563 : i32 to index
      %get3A_565 = arith.constant 0 : index
      %get3A_566 = tpu.vector_load %arg6[%get3A_564, %get3A_565] {strides = array<i32>} : memref<3328x16xf32, #tpu.memory_space<vmem>>, vector<1x16xf32>,
      %get3A_567 = vector.shape_cast %get3A_566 : vector<1x16xf32> to vector<16xf32>
      %add3A_568 = arith.addf %add3A_561, %get3A_567 : vector<16xf32>
      %add3A_569 = arith.constant 6 : i32
      %add3A_570 = arith.addi %mul3A_530, %add3A_569 : i32
      %get3A_571 = arith.index_cast %add3A_570 : i32 to index
      %get3A_572 = arith.constant 0 : index
      %get3A_573 = tpu.vector_load %arg6[%get3A_571, %get3A_572] {strides = array<i32>} : memref<3328x16xf32, #tpu.memory_space<vmem>>, vector<1x16xf32>,
      %get3A_574 = vector.shape_cast %get3A_573 : vector<1x16xf32> to vector<16xf32>
      %add3A_575 = arith.addf %add3A_568, %get3A_574 : vector<16xf32>
      %add3A_576 = arith.constant 7 : i32
      %add3A_577 = arith.addi %mul3A_530, %add3A_576 : i32
      %get3A_578 = arith.index_cast %add3A_577 : i32 to index
      %get3A_579 = arith.constant 0 : index
      %get3A_580 = tpu.vector_load %arg6[%get3A_578, %get3A_579] {strides = array<i32>} : memref<3328x16xf32, #tpu.memory_space<vmem>>, vector<1x16xf32>,
      %get3A_581 = vector.shape_cast %get3A_580 : vector<1x16xf32> to vector<16xf32>
      %add3A_582 = arith.addf %add3A_575, %get3A_581 : vector<16xf32>
      %add3A_583 = arith.constant 8 : i32
      %add3A_584 = arith.addi %mul3A_530, %add3A_583 : i32
      %get3A_585 = arith.index_cast %add3A_584 : i32 to index
      %get3A_586 = arith.constant 0 : index
      %get3A_587 = tpu.vector_load %arg6[%get3A_585, %get3A_586] {strides = array<i32>} : memref<3328x16xf32, #tpu.memory_space<vmem>>, vector<1x16xf32>,
      %get3A_588 = vector.shape_cast %get3A_587 : vector<1x16xf32> to vector<16xf32>
      %add3A_589 = arith.addf %add3A_582, %get3A_588 : vector<16xf32>
      %add3A_590 = arith.constant 9 : i32
      %add3A_591 = arith.addi %mul3A_530, %add3A_590 : i32
      %get3A_592 = arith.index_cast %add3A_591 : i32 to index
      %get3A_593 = arith.constant 0 : index
      %get3A_594 = tpu.vector_load %arg6[%get3A_592, %get3A_593] {strides = array<i32>} : memref<3328x16xf32, #tpu.memory_space<vmem>>, vector<1x16xf32>,
      %get3A_595 = vector.shape_cast %get3A_594 : vector<1x16xf32> to vector<16xf32>
      %add3A_596 = arith.addf %add3A_589, %get3A_595 : vector<16xf32>
      %add3A_597 = arith.constant 10 : i32
      %add3A_598 = arith.addi %mul3A_530, %add3A_597 : i32
      %get3A_599 = arith.index_cast %add3A_598 : i32 to index
      %get3A_600 = arith.constant 0 : index
      %get3A_601 = tpu.vector_load %arg6[%get3A_599, %get3A_600] {strides = array<i32>} : memref<3328x16xf32, #tpu.memory_space<vmem>>, vector<1x16xf32>,
      %get3A_602 = vector.shape_cast %get3A_601 : vector<1x16xf32> to vector<16xf32>
      %add3A_603 = arith.addf %add3A_596, %get3A_602 : vector<16xf32>
      %add3A_604 = arith.constant 11 : i32
      %add3A_605 = arith.addi %mul3A_530, %add3A_604 : i32
      %get3A_606 = arith.index_cast %add3A_605 : i32 to index
      %get3A_607 = arith.constant 0 : index
      %get3A_608 = tpu.vector_load %arg6[%get3A_606, %get3A_607] {strides = array<i32>} : memref<3328x16xf32, #tpu.memory_space<vmem>>, vector<1x16xf32>,
      %get3A_609 = vector.shape_cast %get3A_608 : vector<1x16xf32> to vector<16xf32>
      %add3A_610 = arith.addf %add3A_603, %get3A_609 : vector<16xf32>
      %add3A_611 = arith.constant 12 : i32
      %add3A_612 = arith.addi %mul3A_530, %add3A_611 : i32
      %get3A_613 = arith.index_cast %add3A_612 : i32 to index
      %get3A_614 = arith.constant 0 : index
      %get3A_615 = tpu.vector_load %arg6[%get3A_613, %get3A_614] {strides = array<i32>} : memref<3328x16xf32, #tpu.memory_space<vmem>>, vector<1x16xf32>,
      %get3A_616 = vector.shape_cast %get3A_615 : vector<1x16xf32> to vector<16xf32>
      %add3A_617 = arith.addf %add3A_610, %get3A_616 : vector<16xf32>
      %add3A_618 = arith.constant 13 : i32
      %add3A_619 = arith.addi %mul3A_530, %add3A_618 : i32
      %get3A_620 = arith.index_cast %add3A_619 : i32 to index
      %get3A_621 = arith.constant 0 : index
      %get3A_622 = tpu.vector_load %arg6[%get3A_620, %get3A_621] {strides = array<i32>} : memref<3328x16xf32, #tpu.memory_space<vmem>>, vector<1x16xf32>,
      %get3A_623 = vector.shape_cast %get3A_622 : vector<1x16xf32> to vector<16xf32>
      %add3A_624 = arith.addf %add3A_617, %get3A_623 : vector<16xf32>
      %add3A_625 = arith.constant 14 : i32
      %add3A_626 = arith.addi %mul3A_530, %add3A_625 : i32
      %get3A_627 = arith.index_cast %add3A_626 : i32 to index
      %get3A_628 = arith.constant 0 : index
      %get3A_629 = tpu.vector_load %arg6[%get3A_627, %get3A_628] {strides = array<i32>} : memref<3328x16xf32, #tpu.memory_space<vmem>>, vector<1x16xf32>,
      %get3A_630 = vector.shape_cast %get3A_629 : vector<1x16xf32> to vector<16xf32>
      %add3A_631 = arith.addf %add3A_624, %get3A_630 : vector<16xf32>
      %add3A_632 = arith.constant 15 : i32
      %add3A_633 = arith.addi %mul3A_530, %add3A_632 : i32
      %get3A_634 = arith.index_cast %add3A_633 : i32 to index
      %get3A_635 = arith.constant 0 : index
      %get3A_636 = tpu.vector_load %arg6[%get3A_634, %get3A_635] {strides = array<i32>} : memref<3328x16xf32, #tpu.memory_space<vmem>>, vector<1x16xf32>,
      %get3A_637 = vector.shape_cast %get3A_636 : vector<1x16xf32> to vector<16xf32>
      %add3A_638 = arith.addf %add3A_631, %get3A_637 : vector<16xf32>
      %add3A_639 = arith.constant 16 : i32
      %add3A_640 = arith.addi %mul3A_530, %add3A_639 : i32
      %get3A_641 = arith.index_cast %add3A_640 : i32 to index
      %get3A_642 = arith.constant 0 : index
      %get3A_643 = tpu.vector_load %arg6[%get3A_641, %get3A_642] {strides = array<i32>} : memref<3328x16xf32, #tpu.memory_space<vmem>>, vector<1x16xf32>,
      %get3A_644 = vector.shape_cast %get3A_643 : vector<1x16xf32> to vector<16xf32>
      %add3A_645 = arith.addf %add3A_638, %get3A_644 : vector<16xf32>
      %add3A_646 = arith.constant 17 : i32
      %add3A_647 = arith.addi %mul3A_530, %add3A_646 : i32
      %get3A_648 = arith.index_cast %add3A_647 : i32 to index
      %get3A_649 = arith.constant 0 : index
      %get3A_650 = tpu.vector_load %arg6[%get3A_648, %get3A_649] {strides = array<i32>} : memref<3328x16xf32, #tpu.memory_space<vmem>>, vector<1x16xf32>,
      %get3A_651 = vector.shape_cast %get3A_650 : vector<1x16xf32> to vector<16xf32>
      %add3A_652 = arith.addf %add3A_645, %get3A_651 : vector<16xf32>
      %add3A_653 = arith.constant 18 : i32
      %add3A_654 = arith.addi %mul3A_530, %add3A_653 : i32
      %get3A_655 = arith.index_cast %add3A_654 : i32 to index
      %get3A_656 = arith.constant 0 : index
      %get3A_657 = tpu.vector_load %arg6[%get3A_655, %get3A_656] {strides = array<i32>} : memref<3328x16xf32, #tpu.memory_space<vmem>>, vector<1x16xf32>,
      %get3A_658 = vector.shape_cast %get3A_657 : vector<1x16xf32> to vector<16xf32>
      %add3A_659 = arith.addf %add3A_652, %get3A_658 : vector<16xf32>
      %add3A_660 = arith.constant 19 : i32
      %add3A_661 = arith.addi %mul3A_530, %add3A_660 : i32
      %get3A_662 = arith.index_cast %add3A_661 : i32 to index
      %get3A_663 = arith.constant 0 : index
      %get3A_664 = tpu.vector_load %arg6[%get3A_662, %get3A_663] {strides = array<i32>} : memref<3328x16xf32, #tpu.memory_space<vmem>>, vector<1x16xf32>,
      %get3A_665 = vector.shape_cast %get3A_664 : vector<1x16xf32> to vector<16xf32>
      %add3A_666 = arith.addf %add3A_659, %get3A_665 : vector<16xf32>
      %add3A_667 = arith.constant 20 : i32
      %add3A_668 = arith.addi %mul3A_530, %add3A_667 : i32
      %get3A_669 = arith.index_cast %add3A_668 : i32 to index
      %get3A_670 = arith.constant 0 : index
      %get3A_671 = tpu.vector_load %arg6[%get3A_669, %get3A_670] {strides = array<i32>} : memref<3328x16xf32, #tpu.memory_space<vmem>>, vector<1x16xf32>,
      %get3A_672 = vector.shape_cast %get3A_671 : vector<1x16xf32> to vector<16xf32>
      %add3A_673 = arith.addf %add3A_666, %get3A_672 : vector<16xf32>
      %add3A_674 = arith.constant 21 : i32
      %add3A_675 = arith.addi %mul3A_530, %add3A_674 : i32
      %get3A_676 = arith.index_cast %add3A_675 : i32 to index
      %get3A_677 = arith.constant 0 : index
      %get3A_678 = tpu.vector_load %arg6[%get3A_676, %get3A_677] {strides = array<i32>} : memref<3328x16xf32, #tpu.memory_space<vmem>>, vector<1x16xf32>,
      %get3A_679 = vector.shape_cast %get3A_678 : vector<1x16xf32> to vector<16xf32>
      %add3A_680 = arith.addf %add3A_673, %get3A_679 : vector<16xf32>
      %add3A_681 = arith.constant 22 : i32
      %add3A_682 = arith.addi %mul3A_530, %add3A_681 : i32
      %get3A_683 = arith.index_cast %add3A_682 : i32 to index
      %get3A_684 = arith.constant 0 : index
      %get3A_685 = tpu.vector_load %arg6[%get3A_683, %get3A_684] {strides = array<i32>} : memref<3328x16xf32, #tpu.memory_space<vmem>>, vector<1x16xf32>,
      %get3A_686 = vector.shape_cast %get3A_685 : vector<1x16xf32> to vector<16xf32>
      %add3A_687 = arith.addf %add3A_680, %get3A_686 : vector<16xf32>
      %add3A_688 = arith.constant 23 : i32
      %add3A_689 = arith.addi %mul3A_530, %add3A_688 : i32
      %get3A_690 = arith.index_cast %add3A_689 : i32 to index
      %get3A_691 = arith.constant 0 : index
      %get3A_692 = tpu.vector_load %arg6[%get3A_690, %get3A_691] {strides = array<i32>} : memref<3328x16xf32, #tpu.memory_space<vmem>>, vector<1x16xf32>,
      %get3A_693 = vector.shape_cast %get3A_692 : vector<1x16xf32> to vector<16xf32>
      %add3A_694 = arith.addf %add3A_687, %get3A_693 : vector<16xf32>
      %add3A_695 = arith.constant 24 : i32
      %add3A_696 = arith.addi %mul3A_530, %add3A_695 : i32
      %get3A_697 = arith.index_cast %add3A_696 : i32 to index
      %get3A_698 = arith.constant 0 : index
      %get3A_699 = tpu.vector_load %arg6[%get3A_697, %get3A_698] {strides = array<i32>} : memref<3328x16xf32, #tpu.memory_space<vmem>>, vector<1x16xf32>,
      %get3A_700 = vector.shape_cast %get3A_699 : vector<1x16xf32> to vector<16xf32>
      %add3A_701 = arith.addf %add3A_694, %get3A_700 : vector<16xf32>
      %add3A_702 = arith.constant 25 : i32
      %add3A_703 = arith.addi %mul3A_530, %add3A_702 : i32
      %get3A_704 = arith.index_cast %add3A_703 : i32 to index
      %get3A_705 = arith.constant 0 : index
      %get3A_706 = tpu.vector_load %arg6[%get3A_704, %get3A_705] {strides = array<i32>} : memref<3328x16xf32, #tpu.memory_space<vmem>>, vector<1x16xf32>,
      %get3A_707 = vector.shape_cast %get3A_706 : vector<1x16xf32> to vector<16xf32>
      %add3A_708 = arith.addf %add3A_701, %get3A_707 : vector<16xf32>
      %swap3A = arith.index_cast %scan3A_527 : i32 to index
      %swap3A_709 = arith.constant 0 : index
      %swap3A_710 = tpu.vector_load %arg7[%swap3A, %swap3A_709] {strides = array<i32>} : memref<128x16xf32, #tpu.memory_space<vmem>>, vector<1x16xf32>,
      %swap3A_711 = vector.shape_cast %swap3A_710 : vector<1x16xf32> to vector<16xf32>
      %swap3A_712 = vector.shape_cast %add3A_708 : vector<16xf32> to vector<1x16xf32>
      tpu.vector_store %arg7[%swap3A, %swap3A_709], %swap3A_712 {strides = array<i32>} : memref<128x16xf32, #tpu.memory_space<vmem>>, vector<1x16xf32>,
      %scan3A_713 = arith.constant 0 : i32
      scf.yield %scan3A_713 : i32
    }
    %scan3A_526 = arith.constant 128 : i32
    "tpu.region"() ({
      %run_scoped3A = tpu.sem_alloc : memref<!tpu.dma_semaphore, #tpu.memory_space<semaphore_mem>>
      %dma_start3A_527 = arith.constant 0 : i32
      %dma_start3A_528 = tpu.memref_slice %arg4[%mul3A_2, %dma_start3A_527] : memref<4096x16xf32, #tpu.memory_space<hbm>> -> memref<128x16xf32, #tpu.memory_space<hbm>>
      %dma_start3A_529 = arith.constant 0 : i32
      %dma_start3A_530 = tpu.memref_slice %arg4[%mul3A_2, %dma_start3A_529] : memref<4096x16xf32, #tpu.memory_space<hbm>> -> memref<128x16xf32, #tpu.memory_space<hbm>>
      tpu.enqueue_dma source(%arg7 : memref<128x16xf32, #tpu.memory_space<vmem>>) target(%dma_start3A_530 : memref<128x16xf32, #tpu.memory_space<hbm>>) target_semaphore(%run_scoped3A : memref<!tpu.dma_semaphore, #tpu.memory_space<semaphore_mem>>)
      %dma_wait3A_531 = arith.constant 0 : i32
      %dma_wait3A_532 = tpu.memref_slice %arg4[%mul3A_2, %dma_wait3A_531] : memref<4096x16xf32, #tpu.memory_space<hbm>> -> memref<128x16xf32, #tpu.memory_space<hbm>>
      %dma_wait3A_533 = arith.constant 0 : i32
      %dma_wait3A_534 = tpu.memref_slice %arg4[%mul3A_2, %dma_wait3A_533] : memref<4096x16xf32, #tpu.memory_space<hbm>> -> memref<128x16xf32, #tpu.memory_space<hbm>>
      tpu.wait_dma2 semaphore(%run_scoped3A : memref<!tpu.dma_semaphore, #tpu.memory_space<semaphore_mem>>) src(%arg7 : memref<128x16xf32, #tpu.memory_space<vmem>>) dst(%dma_wait3A_534 : memref<128x16xf32, #tpu.memory_space<hbm>>)
      tpu.yield
    }) : () -> ()
    return
  }
}

</mosaic_0001>

<sc_bundles>
// kernel: kernel.3.cloned.1.call-start
scs
__scs_entry_jumppad:
0x0: {  	(pc) =	sbr.rel $0x88, $3  }
0x1: {  	(tag) =	ssettag $0x0;
	lr =	simm.s32 $0x1  }
0x2: {  	[smem:$0x3F9F] =	sst lr;
	_ =	strace $0xD0000000  }
0x3: {  	_ = 	snop  }
0x4: {  	_ = 	snop  }
0x5: {  	_ = 	snop  }
0x6: {  	_ = 	snop  }
0x7: {  	_ = 	snop  }
__scs_overlays_trampoline_lowered:
0x8: {  	[smem:$0x3FAE] =	sst s0  }
0x9: {  	[smem:$0x3FAF] =	sst s1  }
0xa: {  	[smem:$0x3FB0] =	sst s2  }
0xb: {  	[smem:$0x3FB1] =	sst s3  }
0xc: {  	[smem:$0x3FB2] =	sst s4  }
0xd: {  	[smem:$0x3FB3] =	sst s5  }
0xe: {  	[smem:$0x3FB4] =	sst s6  }
0xf: {  	[smem:$0x3FB5] =	sst s7  }
0x10: {  	[smem:$0x3FB6] =	sst s8  }
0x11: {  	[smem:$0x3FB7] =	sst s9;
	s0 =	simm.s32 @!p0 $0x0  }
0x12: {  	s1 =	sld [smem:$0x3F9D];
	s0 =	simm.s32 @p0 $0x1  }
0x13: {  	[smem:$0x3FB8] =	sst s0;
	s0 =	simm.s32 @!p1 $0x0  }
0x14: {  	s2 =	sld [smem:$0x3F9C];
	s0 =	simm.s32 @p1 $0x1  }
0x15: {  	[smem:$0x3FB9] =	sst s0;
	s0 =	simm.s32 @!p2 $0x0  }
0x16: {  	s3 =	sld [smem:$0x3FDB];
	s0 =	simm.s32 @p2 $0x1  }
0x17: {  	s4 =	simm.s32 $0x1BF5;
	[smem:$0x3FBB] =	sst s0  }
0x18: {  	s0 =	sld [smem:$0x3F9E];
	_ =	swait.ge [sflag:s4], $0x0  }
0x19: {  	s7 =	sld [smem:$0x3F9F]  }
0x1a: {  	s8 =	sadd.s32 $0xFFFFE003, lr  }
0x1b: {  	s9 =	sadd.s32 $0xFFFFFEF7, lr;
	s5 =	simm.s32 $0xFFFFFFFF;
	p2 =	slt.u32 s8, $0xFFFFF086  }
0x1c: {  	p1 =	slt.u32 s9, $0xF7A;
	s5 =	simm.s32 @!p2 $0x0  }
0x1d: {  	s5 =	simm.s32 @p1 $0x1;
	p0 =	seq.s32 s7, s2  }
0x1e: {  	s7 =	smul.u32 @!p0 $0xF7A, s2;
	p2 =	seq.s32 @!p0 s5, $0x0  }
0x1f: {  	s9 =	smul.u32 $0xF7A, s1;
	s8 =	simm.s32 @!p0 $0x1BF5;
	p2 =	por !p2, p0  }
0x20: {  	[sflag:s8] =	ssyncset.s32 @!p0 $0xFFFFF086;
	s6 =	sadd.s32 @!p0 s3, s7;
	s7 =	simm.s32 @!p0 $0x108  }
0x21: {  	s3 =	sadd.s32 s3, s9;
	s6 =	sadd.s32 @!p0 $0x88, s6;
	s7 =	simm.s32 @p2 $0x1082  }
0x22: {  	[simem:s7], [sflag:s8] =	dma.local @!p0 [hbm:s6], $0xF7A  }
0x23: {  	s9 =	sor.u32 $0xD0000000, s2;
	s6 =	simm.s32 $0x108;
	_ =	swait.ge @!p0 [sflag:s8], $0x0  }
0x24: {  	s3 =	sadd.s32 $0x88, s3;
	s6 =	simm.s32 @!p1 $0x1082;
	[sflag:s4] =	ssyncset.s32 $0xFFFFF086  }
0x25: {  	[simem:s6], [sflag:s4] =	dma.local [hbm:s3], $0xF7A  }
0x26: {  	[smem:$0x3F9F] =	sst s1;
	(tag) =	ssettag s2;
	_ =	strace s9  }
0x27: {  	s1 =	sld [smem:$0x3FAF]  }
0x28: {  	s2 =	sld [smem:$0x3FB0]  }
0x29: {  	s4 =	sld [smem:$0x3FB2]  }
0x2a: {  	p0 =	seq.s32 s5, $0x0;
	s5 =	sld [smem:$0x3FB3]  }
0x2b: {  	s6 =	sld [smem:$0x3FB4]  }
0x2c: {  	s7 =	sld [smem:$0x3FB5]  }
0x2d: {  	s3 =	simm.s32 $0x108;
	s8 =	sld [smem:$0x3FB6]  }
0x2e: {  	s3 =	simm.s32 @!p0 $0x1082;
	s9 =	sld [smem:$0x3FB7]  }
0x2f: {  	lr =	sadd.s32 s0, s3;
	s0 =	sld [smem:$0x3FAE]  }
0x30: {  	s3 =	sld [smem:$0x3FB1]  }
0x31: {  	[smem:$0x3FBA] =	sst s10  }
0x32: {  	s10 =	sld [smem:$0x3FB8];
	_ =	sdelay $0x3  }
0x33: {  	p0 =	seq.s32 s10, $0x1;
	s10 =	sld [smem:$0x3FBA];
	_ =	sdelay $0x3  }
0x34: {  	[smem:$0x3FBA] =	sst s10  }
0x35: {  	s10 =	sld [smem:$0x3FB9];
	_ =	sdelay $0x3  }
0x36: {  	p1 =	seq.s32 s10, $0x1;
	s10 =	sld [smem:$0x3FBA];
	_ =	sdelay $0x3  }
0x37: {  	[smem:$0x3FBA] =	sst s10  }
0x38: {  	s10 =	sld [smem:$0x3FBB]  }
0x39: {  	_ = 	snop;
	(pc) =	sbr.ind lr, $3  }
0x3a: {  	_ = 	snop  }
0x3b: {  	_ = 	snop  }
0x3c: {  	p2 =	seq.s32 s10, $0x1;
	s10 =	sld [smem:$0x3FBA]  }
0x3d: {  	_ =	shalt  }
0x3e: {  	_ =	shalt  }
0x3f: {  	_ =	shalt  }
0x40: {  	_ =	shalt  }
0x41: {  	_ =	shalt  }
0x42: {  	_ =	shalt  }
0x43: {  	_ =	shalt  }
0x44: {  	_ =	shalt  }
0x45: {  	_ =	shalt  }
0x46: {  	_ =	shalt  }
0x47: {  	_ =	shalt  }
0x48: {  	_ =	shalt  }
0x49: {  	_ =	shalt  }
0x4a: {  	_ =	shalt  }
0x4b: {  	_ =	shalt  }
0x4c: {  	_ =	shalt  }
0x4d: {  	_ =	shalt  }
0x4e: {  	_ =	shalt  }
0x4f: {  	_ =	shalt  }
0x50: {  	_ =	shalt  }
0x51: {  	_ =	shalt  }
0x52: {  	_ =	shalt  }
0x53: {  	_ =	shalt  }
0x54: {  	_ =	shalt  }
0x55: {  	_ =	shalt  }
0x56: {  	_ =	shalt  }
0x57: {  	_ =	shalt  }
0x58: {  	_ =	shalt  }
0x59: {  	_ =	shalt  }
0x5a: {  	_ =	shalt  }
0x5b: {  	_ =	shalt  }
0x5c: {  	_ =	shalt  }
0x5d: {  	_ =	shalt  }
0x5e: {  	_ =	shalt  }
0x5f: {  	_ =	shalt  }
0x60: {  	_ =	shalt  }
0x61: {  	_ =	shalt  }
0x62: {  	_ =	shalt  }
0x63: {  	_ =	shalt  }
0x64: {  	_ =	shalt  }
0x65: {  	_ =	shalt  }
0x66: {  	_ =	shalt  }
0x67: {  	_ =	shalt  }
0x68: {  	_ =	shalt  }
0x69: {  	_ =	shalt  }
0x6a: {  	_ =	shalt  }
0x6b: {  	_ =	shalt  }
0x6c: {  	_ =	shalt  }
0x6d: {  	_ =	shalt  }
0x6e: {  	_ =	shalt  }
0x6f: {  	_ =	shalt  }
0x70: {  	_ =	shalt  }
0x71: {  	_ =	shalt  }
0x72: {  	_ =	shalt  }
0x73: {  	_ =	shalt  }
0x74: {  	_ =	shalt  }
0x75: {  	_ =	shalt  }
0x76: {  	_ =	shalt  }
0x77: {  	_ =	shalt  }
0x78: {  	_ =	shalt  }
0x79: {  	_ =	shalt  }
0x7a: {  	_ =	shalt  }
0x7b: {  	_ =	shalt  }
0x7c: {  	_ =	shalt  }
0x7d: {  	_ =	shalt  }
0x7e: {  	_ =	shalt  }
0x7f: {  	_ =	shalt  }
0x80: {  	_ =	shalt  }
0x81: {  	_ =	shalt  }
0x82: {  	_ =	shalt  }
0x83: {  	_ =	shalt  }
0x84: {  	_ =	shalt  }
0x85: {  	_ =	shalt  }
0x86: {  	_ =	shalt  }
0x87: {  	_ =	shalt  }
.Lfunc_end0:
.L_simem_size_0:
called_computation_lowered:
.L_overlay_start_0:
0x88: {  	s2 =	sld [smem:$0x3FD9]  }
0x89: {  	s3 =	sld [smem:$0x3FFE];
	_ =	sdelay $0x1  }
0x8a: {  	s1 =	srdreg.scid  }
0x8b: {  	s0 =	sand.u32 $0x1, s1  }
0x8c: {  	s17 =	sshll.u32 s0, $0xA;
	s2 =	sadd.s32 s3, s2  }
0x8d: {  	s2 =	sadd.s32 s2, s17  }
0x8e: {  	[smem:$0x3FC6] =	sst s2  }
0x8f: {  	_ = 	snop  }
0x90: {  	s2 =	sld [smem:$0x3FD0];
	(tm) =	ssettm $0x1  }
0x91: {  	s18 =	sld [smem:$0x3FFB];
	_ =	sdelay $0x3  }
0x92: {  	_ =	strace s18  }
0x93: {  	s3 =	sld [smem:$0x3FFC];
	_ =	sdelay $0x3  }
0x94: {  	_ =	strace s3  }
0x95: {  	s3 =	sld [smem:$0x3FFD];
	_ =	sdelay $0x3  }
0x96: {  	_ =	strace s3  }
0x97: {  	_ =	strace $0x8FFFFFFF  }
0x98: {  	s19 =	sld [smem:$0x3FDB];
	_ =	sdelay $0x1  }
0x99: {  	s4 =	simm.s32 $_scs_section_size  }
0x9a: {  	s5 =	simm.s32 $_size__tile_overlayer_lowered;
	s6 =	simm.s32 $_tile_overlayer_lowered  }
0x9b: {  	s22 =	simm.s32 $0x1BFF;
	s21 =	sshll.u32 s6, $0x1;
	s3 =	sadd.s32 s4, s19  }
0x9c: {  	s7 =	simm.s32 $0x0;
	s20 =	sshll.u32 s5, $0x1;
	s5 =	sadd.s32 s21, s3  }
0x9d: {  	[timem:s7], [sflag:s22] =	dma.local [hbm:s5], s20  }
0x9e: {  	_ =	swait.ge [sflag:s22], s20  }
0x9f: {  	s4 =	ssub.s32 $0x0, s20;
	[sflag:s22] =	ssyncset.done $0x0  }
0xa0: {  	[sflag:s22] =	ssyncadd.s32 s4;
	_ =	sdelay $0x1  }
0xa1: {  	s23 =	simm.s32 $0x1B8B  }
0xa2: {  	_ =	swait.ge [sflag:s23], $0x1  }
0xa3: {  	[sflag:s23] =	ssyncset.done $0x0  }
0xa4: {  	s25 =	simm.s32 $0x1B8E;
	s24 =	sld [smem:$0x3FFE];
	[sflag:s23] =	ssyncadd.s32 $0xFFFFFFFF  }
0xa5: {  	s26 =	simm.s32 $execute0_lowered;
	[smem:$0x3FD2] =	sst s25  }
0xa6: {  	s5 =	sshll.u32 s26, $0x1;
	_ =	strace $0x80000046;
	[dreg:$0x1] =	wrdreg $0xFFFFFFFF  }
0xa7: {  	s28 =	simm.s32 $_size_execute0_lowered;
	s3 =	sadd.s32 s3, s5;
	[dreg:$0x0] =	wrdreg $0x0  }
0xa8: {  	s5 =	sshll.u32 s28, $0x1;
	[dreg:$0x2] =	wrdreg s3  }
0xa9: {  	[dreg:$0x3] =	wrdreg s5  }
0xaa: {  	[dreg:$0x4] =	wrdreg $0xC0  }
0xab: {  	_ =	task [dreg:s7], $0x5FFFF  }
0xac: {  	[dreg:$0x1] =	wrdreg $0xFFFFFFFF  }
0xad: {  	[dreg:$0x0] =	wrdreg $0x60  }
0xae: {  	[dreg:$0x2] =	wrdreg s24  }
0xaf: {  	[dreg:$0x3] =	wrdreg s2  }
0xb0: {  	[dreg:$0x4] =	wrdreg $0x9  }
0xb1: {  	_ =	task.clear_ibuf [dreg:s7], $0x5FFFF;
	_ =	strace $0x90000046  }
0xb2: {  	s29 =	simm.s32 $0x9;
	_ =	strace $0x80000048  }
0xb3: {  	_ =	swait.ge [sflag:s29], $0x1  }
0xb4: {  	[sflag:s29] =	ssyncadd.s32 $0xFFFFFFFF  }
0xb5: {  	_ =	strace $0x90000048  }
0xb6: {  	_ =	sfence  }
0xb7: {  	s30 =	sld [smem:$0x0];
	_ =	sdelay $0x2  }
0xb8: {  	s31 =	sshll.u32 s1, $0xD;
	s1 =	sshrl.u32 s1, $0x2  }
0xb9: {  	s3 =	sand.u32 $0x4000, s31;
	s1 =	sadd.s32 s1, s30  }
0xba: {  	s0 =	sor.u32 s3, s0;
	s1 =	sshll.u32 s1, $0x11  }
0xbb: {  	s0 =	sor.u32 s1, s0  }
0xbc: {  	s0 =	sadd.s32 $0x8F2B, s0  }
0xbd: {  	[sflag:s0] =	ssyncadd.remote.s32 $0x1  }
0xbe: {  	_ =	sfence.sel $0xFFFF  }
0xbf: {  	[dreg:$0x0] =	wrdreg $0xFFFFFFFF;
	(pc) =	sbr.abs _section_cstart, $3  }
0xc0: {  	[dreg:$0x1] =	wrdreg $0xFFFFFFFF  }
0xc1: {  	_ =	task.clear_ibuf [dreg:s7], $0x2FFFF;
	_ =	strace $0x9FFFFFFF  }
0xc2: {  	(tm) =	ssettm $0x7FFFFFFF  }
0xc3: {  	_ =	shalt  }
tec
execute0_lowered:
.L_overlay_start_1:
0x0: {  	(tag) =	ssettag $0x1  }
0x1: {  	s0 =	rddreg [dreg:$0x0]  }
0x2: {  	s1 =	srdreg.scid;
	s2 =	stileid.u32  }
0x3: {  	s5 =	rddreg [dreg:$0x1];
	s7 =	simm.s32 $0x2;
	s8 =	simm.s32 $0x80  }
0x4: {  	s18 =	simm.s32 $0x9500;
	s19 =	simm.s32 $0x900;
	s20 =	simm.s32 $0x9D00  }
0x5: {  	s21 =	simm.s32 $0x980;
	s22 =	simm.s32 $0xA500;
	s23 =	simm.s32 $0xA00  }
0x6: {  	s24 =	simm.s32 $0xAD00;
	s28 =	simm.s32 $0xB00;
	s29 =	simm.s32 $0xBD00  }
0x7: {  	s30 =	simm.s32 $0xB80;
	s31 =	simm.s32 $0xC500;
	s9 =	simm.s32 $0xC80  }
0x8: {  	s10 =	simm.s32 $0xD500;
	s11 =	simm.s32 $0x1;
	s12 =	simm.s32 $0xDD00  }
0x9: {  	s1 =	sand.u32 $0x1, s1;
	s3 =	sshll.u32 s2, $0x1;
	s2 =	simm.s32 $0x0  }
0xa: {  	s13 =	simm.s32 $0x0;
	s6 =	sor.u32 s1, s3;
	[smem:$0x7FF] =	sst s2  }
0xb: {  	s1 =	ssub.s32 $0x2, s1;
	s3 =	smul.u32 $0x1A0, s6;
	s26 =	sshll.u32 s6, $0x8  }
0xc: {  	_ =	strace $0x80000047;
	s25 =	sshrl.u32 s1, $0x1;
	s5 =	sadd.s32 s5, s26  }
0xd: {  	s26 =	simm.s32 $0xB500;
	s4 =	sadd.s32 s3, s0;
	s3 =	sadd.s32 $0xF42A00, s0  }
0xe: {  	s0 =	ssub.s32 s1, s25;
	s25 =	simm.s32 $0xA80;
	s1 =	simm.s32 $0xC00  }
0xf: {  	s4 =	sadd.s32 $0x600, s4;
	s6 =	smax.u32 s0, $0x1;
	s0 =	simm.s32 $0xCD00  }
.LBB2_1:
0x10: {  	[tilespmem:s2], [sflag:$0x2] =	stream.linear.gather [hbm4b:s4+s2], $0xD00, $0x38;
	[tilespmem:$0xE500] =	vst v63  }
0x11: {  	_ =	swait.ge [sflag:s7], $0xD00  }
0x12: {  	[sflag:s7] =	ssyncset.done $0x0  }
0x13: {  	s14 =	simm.s32 $0xD00;
	[sflag:s7] =	ssyncadd.s32 $0xFFFFF300  }
0x14: {  	[tilespmem:s14], [sflag:$0x1] =	stream.indirect.gather [hbm4b:s3+s8], $0x10, s2, s8, $0xb8;
	[tilespmem:$0xE500] =	vst v63  }
0x15: {  	s16 =	simm.s32 $0x1500  }
0x16: {  	[tilespmem:s16], [sflag:$0x1] =	stream.indirect.gather [hbm4b:s3+s8], $0x10, s8, s8, $0xb8;
	[tilespmem:$0xE500] =	vst v63  }
0x17: {  	s17 =	simm.s32 $0x100;
	s15 =	simm.s32 $0x1D00  }
0x18: {  	[tilespmem:s15], [sflag:$0x1] =	stream.indirect.gather [hbm4b:s3+s8], $0x10, s17, s8, $0xb8;
	[tilespmem:$0xE500] =	vst v63  }
0x19: {  	s16 =	simm.s32 $0x180;
	s17 =	simm.s32 $0x2500  }
0x1a: {  	[tilespmem:s17], [sflag:$0x1] =	stream.indirect.gather [hbm4b:s3+s8], $0x10, s16, s8, $0xb8;
	[tilespmem:$0xE500] =	vst v63  }
0x1b: {  	s16 =	simm.s32 $0x200;
	s17 =	simm.s32 $0x2D00  }
0x1c: {  	[tilespmem:s17], [sflag:$0x1] =	stream.indirect.gather [hbm4b:s3+s8], $0x10, s16, s8, $0xb8;
	[tilespmem:$0xE500] =	vst v63  }
0x1d: {  	s16 =	simm.s32 $0x280;
	s17 =	simm.s32 $0x3500  }
0x1e: {  	[tilespmem:s17], [sflag:$0x1] =	stream.indirect.gather [hbm4b:s3+s8], $0x10, s16, s8, $0xb8;
	[tilespmem:$0xE500] =	vst v63  }
0x1f: {  	s16 =	simm.s32 $0x300;
	s17 =	simm.s32 $0x3D00  }
0x20: {  	[tilespmem:s17], [sflag:$0x1] =	stream.indirect.gather [hbm4b:s3+s8], $0x10, s16, s8, $0xb8;
	[tilespmem:$0xE500] =	vst v63  }
0x21: {  	s16 =	simm.s32 $0x380;
	s17 =	simm.s32 $0x4500  }
0x22: {  	[tilespmem:s17], [sflag:$0x1] =	stream.indirect.gather [hbm4b:s3+s8], $0x10, s16, s8, $0xb8;
	[tilespmem:$0xE500] =	vst v63  }
0x23: {  	s16 =	simm.s32 $0x400;
	s17 =	simm.s32 $0x4D00  }
0x24: {  	[tilespmem:s17], [sflag:$0x1] =	stream.indirect.gather [hbm4b:s3+s8], $0x10, s16, s8, $0xb8;
	[tilespmem:$0xE500] =	vst v63  }
0x25: {  	s16 =	simm.s32 $0x480;
	s17 =	simm.s32 $0x5500  }
0x26: {  	[tilespmem:s17], [sflag:$0x1] =	stream.indirect.gather [hbm4b:s3+s8], $0x10, s16, s8, $0xb8;
	[tilespmem:$0xE500] =	vst v63  }
0x27: {  	s16 =	simm.s32 $0x500;
	s17 =	simm.s32 $0x5D00  }
0x28: {  	[tilespmem:s17], [sflag:$0x1] =	stream.indirect.gather [hbm4b:s3+s8], $0x10, s16, s8, $0xb8;
	[tilespmem:$0xE500] =	vst v63  }
0x29: {  	s16 =	simm.s32 $0x580;
	s17 =	simm.s32 $0x6500  }
0x2a: {  	[tilespmem:s17], [sflag:$0x1] =	stream.indirect.gather [hbm4b:s3+s8], $0x10, s16, s8, $0xb8;
	[tilespmem:$0xE500] =	vst v63  }
0x2b: {  	s16 =	simm.s32 $0x600;
	s17 =	simm.s32 $0x6D00  }
0x2c: {  	[tilespmem:s17], [sflag:$0x1] =	stream.indirect.gather [hbm4b:s3+s8], $0x10, s16, s8, $0xb8;
	[tilespmem:$0xE500] =	vst v63  }
0x2d: {  	s16 =	simm.s32 $0x680;
	s17 =	simm.s32 $0x7500  }
0x2e: {  	[tilespmem:s17], [sflag:$0x1] =	stream.indirect.gather [hbm4b:s3+s8], $0x10, s16, s8, $0xb8;
	[tilespmem:$0xE500] =	vst v63  }
0x2f: {  	s16 =	simm.s32 $0x700;
	s17 =	simm.s32 $0x7D00  }
0x30: {  	[tilespmem:s17], [sflag:$0x1] =	stream.indirect.gather [hbm4b:s3+s8], $0x10, s16, s8, $0xb8;
	[tilespmem:$0xE500] =	vst v63  }
0x31: {  	s16 =	simm.s32 $0x780;
	s17 =	simm.s32 $0x8500  }
0x32: {  	[tilespmem:s17], [sflag:$0x1] =	stream.indirect.gather [hbm4b:s3+s8], $0x10, s16, s8, $0xb8;
	[tilespmem:$0xE500] =	vst v63  }
0x33: {  	s15 =	simm.s32 $0x800;
	s16 =	simm.s32 $0x8D00  }
0x34: {  	[tilespmem:s16], [sflag:$0x1] =	stream.indirect.gather [hbm4b:s3+s8], $0x10, s15, s8, $0xb8;
	[tilespmem:$0xE500] =	vst v63  }
0x35: {  	s17 =	simm.s32 $0x880  }
0x36: {  	[tilespmem:s18], [sflag:$0x1] =	stream.indirect.gather [hbm4b:s3+s8], $0x10, s17, s8, $0xb8;
	[tilespmem:$0xE500] =	vst v63  }
0x37: {  	_ = 	snop  }
0x38: {  	[tilespmem:s20], [sflag:$0x1] =	stream.indirect.gather [hbm4b:s3+s8], $0x10, s19, s8, $0xb8;
	[tilespmem:$0xE500] =	vst v63  }
0x39: {  	_ = 	snop  }
0x3a: {  	[tilespmem:s22], [sflag:$0x1] =	stream.indirect.gather [hbm4b:s3+s8], $0x10, s21, s8, $0xb8;
	[tilespmem:$0xE500] =	vst v63  }
0x3b: {  	_ = 	snop  }
0x3c: {  	[tilespmem:s24], [sflag:$0x1] =	stream.indirect.gather [hbm4b:s3+s8], $0x10, s23, s8, $0xb8;
	[tilespmem:$0xE500] =	vst v63  }
0x3d: {  	_ = 	snop  }
0x3e: {  	[tilespmem:s26], [sflag:$0x1] =	stream.indirect.gather [hbm4b:s3+s8], $0x10, s25, s8, $0xb8;
	[tilespmem:$0xE500] =	vst v63  }
0x3f: {  	_ = 	snop  }
0x40: {  	[tilespmem:s29], [sflag:$0x1] =	stream.indirect.gather [hbm4b:s3+s8], $0x10, s28, s8, $0xb8;
	[tilespmem:$0xE500] =	vst v63  }
0x41: {  	_ = 	snop  }
0x42: {  	[tilespmem:s31], [sflag:$0x1] =	stream.indirect.gather [hbm4b:s3+s8], $0x10, s30, s8, $0xb8;
	[tilespmem:$0xE500] =	vst v63  }
0x43: {  	_ = 	snop  }
0x44: {  	[tilespmem:s0], [sflag:$0x1] =	stream.indirect.gather [hbm4b:s3+s8], $0x10, s1, s8, $0xb8;
	[tilespmem:$0xE500] =	vst v63  }
0x45: {  	_ = 	snop  }
0x46: {  	[tilespmem:s10], [sflag:$0x1] =	stream.indirect.gather [hbm4b:s3+s8], $0x10, s9, s8, $0xb8;
	[tilespmem:$0xE500] =	vst v63  }
0x47: {  	_ =	swait.ge [sflag:s11], $0x800  }
0x48: {  	[sflag:s11] =	ssyncset.done $0x0  }
0x49: {  	[sflag:s11] =	ssyncadd.s32 $0xFFFFF800  }
0x4a: {  	_ =	swait.ge [sflag:s11], $0x800  }
0x4b: {  	[sflag:s11] =	ssyncset.done $0x0  }
0x4c: {  	[sflag:s11] =	ssyncadd.s32 $0xFFFFF800  }
0x4d: {  	_ =	swait.ge [sflag:s11], $0x800  }
0x4e: {  	[sflag:s11] =	ssyncset.done $0x0  }
0x4f: {  	[sflag:s11] =	ssyncadd.s32 $0xFFFFF800  }
0x50: {  	_ =	swait.ge [sflag:s11], $0x800  }
0x51: {  	[sflag:s11] =	ssyncset.done $0x0  }
0x52: {  	[sflag:s11] =	ssyncadd.s32 $0xFFFFF800  }
0x53: {  	_ =	swait.ge [sflag:s11], $0x800  }
0x54: {  	[sflag:s11] =	ssyncset.done $0x0  }
0x55: {  	[sflag:s11] =	ssyncadd.s32 $0xFFFFF800  }
0x56: {  	_ =	swait.ge [sflag:s11], $0x800  }
0x57: {  	[sflag:s11] =	ssyncset.done $0x0  }
0x58: {  	[sflag:s11] =	ssyncadd.s32 $0xFFFFF800  }
0x59: {  	_ =	swait.ge [sflag:s11], $0x800  }
0x5a: {  	[sflag:s11] =	ssyncset.done $0x0  }
0x5b: {  	[sflag:s11] =	ssyncadd.s32 $0xFFFFF800  }
0x5c: {  	_ =	swait.ge [sflag:s11], $0x800  }
0x5d: {  	[sflag:s11] =	ssyncset.done $0x0  }
0x5e: {  	[sflag:s11] =	ssyncadd.s32 $0xFFFFF800  }
0x5f: {  	_ =	swait.ge [sflag:s11], $0x800  }
0x60: {  	[sflag:s11] =	ssyncset.done $0x0  }
0x61: {  	[sflag:s11] =	ssyncadd.s32 $0xFFFFF800  }
0x62: {  	_ =	swait.ge [sflag:s11], $0x800  }
0x63: {  	[sflag:s11] =	ssyncset.done $0x0  }
0x64: {  	[sflag:s11] =	ssyncadd.s32 $0xFFFFF800  }
0x65: {  	_ =	swait.ge [sflag:s11], $0x800  }
0x66: {  	[sflag:s11] =	ssyncset.done $0x0  }
0x67: {  	[sflag:s11] =	ssyncadd.s32 $0xFFFFF800  }
0x68: {  	_ =	swait.ge [sflag:s11], $0x800  }
0x69: {  	[sflag:s11] =	ssyncset.done $0x0  }
0x6a: {  	[sflag:s11] =	ssyncadd.s32 $0xFFFFF800  }
0x6b: {  	_ =	swait.ge [sflag:s11], $0x800  }
0x6c: {  	[sflag:s11] =	ssyncset.done $0x0  }
0x6d: {  	[sflag:s11] =	ssyncadd.s32 $0xFFFFF800  }
0x6e: {  	_ =	swait.ge [sflag:s11], $0x800  }
0x6f: {  	[sflag:s11] =	ssyncset.done $0x0  }
0x70: {  	[sflag:s11] =	ssyncadd.s32 $0xFFFFF800  }
0x71: {  	_ =	swait.ge [sflag:s11], $0x800  }
0x72: {  	[sflag:s11] =	ssyncset.done $0x0  }
0x73: {  	[sflag:s11] =	ssyncadd.s32 $0xFFFFF800  }
0x74: {  	_ =	swait.ge [sflag:s11], $0x800  }
0x75: {  	[sflag:s11] =	ssyncset.done $0x0  }
0x76: {  	[sflag:s11] =	ssyncadd.s32 $0xFFFFF800  }
0x77: {  	_ =	swait.ge [sflag:s11], $0x800  }
0x78: {  	[sflag:s11] =	ssyncset.done $0x0  }
0x79: {  	[sflag:s11] =	ssyncadd.s32 $0xFFFFF800  }
0x7a: {  	_ =	swait.ge [sflag:s11], $0x800  }
0x7b: {  	[sflag:s11] =	ssyncset.done $0x0  }
0x7c: {  	[sflag:s11] =	ssyncadd.s32 $0xFFFFF800  }
0x7d: {  	_ =	swait.ge [sflag:s11], $0x800  }
0x7e: {  	[sflag:s11] =	ssyncset.done $0x0  }
0x7f: {  	[sflag:s11] =	ssyncadd.s32 $0xFFFFF800  }
0x80: {  	_ =	swait.ge [sflag:s11], $0x800  }
0x81: {  	[sflag:s11] =	ssyncset.done $0x0  }
0x82: {  	[sflag:s11] =	ssyncadd.s32 $0xFFFFF800  }
0x83: {  	_ =	swait.ge [sflag:s11], $0x800  }
0x84: {  	[sflag:s11] =	ssyncset.done $0x0  }
0x85: {  	[sflag:s11] =	ssyncadd.s32 $0xFFFFF800  }
0x86: {  	_ =	swait.ge [sflag:s11], $0x800  }
0x87: {  	[sflag:s11] =	ssyncset.done $0x0  }
0x88: {  	[sflag:s11] =	ssyncadd.s32 $0xFFFFF800  }
0x89: {  	_ =	swait.ge [sflag:s11], $0x800  }
0x8a: {  	[sflag:s11] =	ssyncset.done $0x0  }
0x8b: {  	[sflag:s11] =	ssyncadd.s32 $0xFFFFF800  }
0x8c: {  	_ =	swait.ge [sflag:s11], $0x800  }
0x8d: {  	[sflag:s11] =	ssyncset.done $0x0  }
0x8e: {  	[sflag:s11] =	ssyncadd.s32 $0xFFFFF800  }
0x8f: {  	_ =	swait.ge [sflag:s11], $0x800  }
0x90: {  	[sflag:s11] =	ssyncset.done $0x0  }
0x91: {  	[sflag:s11] =	ssyncadd.s32 $0xFFFFF800  }
0x92: {  	_ =	swait.ge [sflag:s11], $0x800  }
0x93: {  	[sflag:s11] =	ssyncset.done $0x0  }
0x94: {  	s14 =	simm.s32 $0xDD0;
	[sflag:s11] =	ssyncadd.s32 $0xFFFFF800  }
0x95: {  	v0 =	vld [tilespmem:s14+$0xFFFFFF40]  }
0x96: {  	s16 =	simm.s32 $0x40;
	s15 =	simm.s32 $0x0;
	v1 =	vld [tilespmem:s14+$0xFFFFFF30]  }
.LBB2_2:
0x97: {  	p0 =	sne.s32 s16, $0x1FC0  }
0x98: {  	v2 =	vld [tilespmem:s14+$0xFFFFFF50];
	_ =	sdelay $0x1  }
0x99: {  	v3 =	vld [tilespmem:s14+$0xFFFFFF60]  }
0x9a: {  	v0 =	vadd.f32 v0, v1  }
0x9b: {  	v1 =	vld [tilespmem:s14+$0xFFFFFF70]  }
0x9c: {  	v0 =	vadd.f32 v2, v0  }
0x9d: {  	v2 =	vld [tilespmem:s14+$0xFFFFFF80]  }
0x9e: {  	v0 =	vadd.f32 v3, v0  }
0x9f: {  	v3 =	vld [tilespmem:s14+$0xFFFFFF90]  }
0xa0: {  	v0 =	vadd.f32 v1, v0  }
0xa1: {  	v1 =	vld [tilespmem:s14+$0xFFFFFFA0]  }
0xa2: {  	v0 =	vadd.f32 v2, v0  }
0xa3: {  	v2 =	vld [tilespmem:s14+$0xFFFFFFB0]  }
0xa4: {  	v0 =	vadd.f32 v3, v0  }
0xa5: {  	v3 =	vld [tilespmem:s14+$0xFFFFFFC0]  }
0xa6: {  	v0 =	vadd.f32 v1, v0  }
0xa7: {  	v1 =	vld [tilespmem:s14+$0xFFFFFFD0]  }
0xa8: {  	v0 =	vadd.f32 v2, v0  }
0xa9: {  	v2 =	vld [tilespmem:s14+$0xFFFFFFE0]  }
0xaa: {  	v0 =	vadd.f32 v3, v0  }
0xab: {  	v3 =	vld [tilespmem:s14+$0xFFFFFFF0]  }
0xac: {  	v0 =	vadd.f32 v1, v0  }
0xad: {  	v1 =	vld [tilespmem:s14+$0x0]  }
0xae: {  	v0 =	vadd.f32 v2, v0  }
0xaf: {  	v2 =	vld [tilespmem:s14+$0x10]  }
0xb0: {  	v0 =	vadd.f32 v3, v0  }
0xb1: {  	v3 =	vld [tilespmem:s14+$0x20]  }
0xb2: {  	v0 =	vadd.f32 v1, v0  }
0xb3: {  	v1 =	vld [tilespmem:s14+$0x30]  }
0xb4: {  	v0 =	vadd.f32 v2, v0  }
0xb5: {  	v2 =	vld [tilespmem:s14+$0x40]  }
0xb6: {  	v0 =	vadd.f32 v3, v0  }
0xb7: {  	v3 =	vld [tilespmem:s14+$0x50]  }
0xb8: {  	v0 =	vadd.f32 v1, v0  }
0xb9: {  	v1 =	vld [tilespmem:s14+$0x60]  }
0xba: {  	v0 =	vadd.f32 v2, v0  }
0xbb: {  	v2 =	vld [tilespmem:s14+$0x70]  }
0xbc: {  	v0 =	vadd.f32 v3, v0  }
0xbd: {  	v3 =	vld [tilespmem:s14+$0x80]  }
0xbe: {  	v0 =	vadd.f32 v1, v0  }
0xbf: {  	v1 =	vld [tilespmem:s14+$0x90]  }
0xc0: {  	v0 =	vadd.f32 v2, v0  }
0xc1: {  	v2 =	vld [tilespmem:s14+$0xA0]  }
0xc2: {  	v0 =	vadd.f32 v3, v0  }
0xc3: {  	v3 =	vld [tilespmem:s14+$0xB0]  }
0xc4: {  	v0 =	vadd.f32 v1, v0  }
0xc5: {  	v1 =	vld [tilespmem:s14+$0xC0]  }
0xc6: {  	v0 =	vadd.f32 v2, v0;
	_ =	sdelay $0x1  }
0xc7: {  	v0 =	vadd.f32 v3, v0;
	_ =	sdelay $0x1  }
.Ltmp0:
0xc8: {  	v0 =	vadd.f32 v1, v0;
	(pc) =	sbr.rel @p0 .LBB2_2-.Ltmp0, $4  }
0xc9: {  	s17 =	sshra.s32 s15, $0x2;
	s15 =	smov.u32 s16  }
0xca: {  	s14 =	sadd.s32 $0x1A0, s14;
	[tilespmem:s17+$0xDD00] =	vst v0  }
0xcb: {  	v0 =	vld [tilespmem:s14+$0xFFFFFF40]  }
0xcc: {  	s16 =	sadd.s32 $0x40, s16;
	v1 =	vld [tilespmem:s14+$0xFFFFFF30]  }
0xcd: {  	_ = 	snop  }
0xce: {  	v2 =	vld [tilespmem:s14+$0xFFFFFF50];
	_ =	sdelay $0x1  }
0xcf: {  	v3 =	vld [tilespmem:s14+$0xFFFFFF60]  }
0xd0: {  	v0 =	vadd.f32 v0, v1  }
0xd1: {  	v42 =	vld [tilespmem:s14+$0xFFFFFF70]  }
0xd2: {  	v0 =	vadd.f32 v2, v0  }
0xd3: {  	v43 =	vld [tilespmem:s14+$0xFFFFFF80]  }
0xd4: {  	v0 =	vadd.f32 v3, v0  }
0xd5: {  	v44 =	vld [tilespmem:s14+$0xFFFFFF90]  }
0xd6: {  	v0 =	vadd.f32 v42, v0  }
0xd7: {  	v45 =	vld [tilespmem:s14+$0xFFFFFFA0]  }
0xd8: {  	v0 =	vadd.f32 v43, v0  }
0xd9: {  	v46 =	vld [tilespmem:s14+$0xFFFFFFB0]  }
0xda: {  	v0 =	vadd.f32 v44, v0  }
0xdb: {  	v47 =	vld [tilespmem:s14+$0xFFFFFFC0]  }
0xdc: {  	v0 =	vadd.f32 v45, v0  }
0xdd: {  	v48 =	vld [tilespmem:s14+$0xFFFFFFD0]  }
0xde: {  	v0 =	vadd.f32 v46, v0  }
0xdf: {  	v49 =	vld [tilespmem:s14+$0xFFFFFFE0]  }
0xe0: {  	v0 =	vadd.f32 v47, v0  }
0xe1: {  	v50 =	vld [tilespmem:s14+$0xFFFFFFF0]  }
0xe2: {  	v0 =	vadd.f32 v48, v0  }
0xe3: {  	v51 =	vld [tilespmem:s14+$0x0]  }
0xe4: {  	v0 =	vadd.f32 v49, v0  }
0xe5: {  	v52 =	vld [tilespmem:s14+$0x10]  }
0xe6: {  	v0 =	vadd.f32 v50, v0  }
0xe7: {  	v53 =	vld [tilespmem:s14+$0x20]  }
0xe8: {  	v0 =	vadd.f32 v51, v0  }
0xe9: {  	v54 =	vld [tilespmem:s14+$0x30]  }
0xea: {  	v0 =	vadd.f32 v52, v0  }
0xeb: {  	v55 =	vld [tilespmem:s14+$0x40]  }
0xec: {  	v0 =	vadd.f32 v53, v0  }
0xed: {  	v56 =	vld [tilespmem:s14+$0x50]  }
0xee: {  	v0 =	vadd.f32 v54, v0  }
0xef: {  	v57 =	vld [tilespmem:s14+$0x60]  }
0xf0: {  	v0 =	vadd.f32 v55, v0  }
0xf1: {  	v58 =	vld [tilespmem:s14+$0x70]  }
0xf2: {  	v0 =	vadd.f32 v56, v0  }
0xf3: {  	v59 =	vld [tilespmem:s14+$0x80]  }
0xf4: {  	v0 =	vadd.f32 v57, v0  }
0xf5: {  	v60 =	vld [tilespmem:s14+$0x90]  }
0xf6: {  	v0 =	vadd.f32 v58, v0  }
0xf7: {  	v61 =	vld [tilespmem:s14+$0xA0]  }
0xf8: {  	v0 =	vadd.f32 v59, v0  }
0xf9: {  	v62 =	vld [tilespmem:s14+$0xB0]  }
0xfa: {  	v0 =	vadd.f32 v60, v0  }
0xfb: {  	v63 =	vld [tilespmem:s14+$0xC0]  }
0xfc: {  	v0 =	vadd.f32 v61, v0;
	_ =	sdelay $0x1  }
0xfd: {  	v0 =	vadd.f32 v62, v0;
	_ =	sdelay $0x1  }
0xfe: {  	s13 =	sadd.s32 $0x1, s13;
	v0 =	vadd.f32 v63, v0  }
0xff: {  	s17 =	sshra.s32 s15, $0x2;
	p0 =	sne.s32 s13, s6  }
.Ltmp1:
0x100: {  	[tilespmem:s17+$0xDD00] =	vst v0;
	(pc) =	sbr.rel @p0 .LBB2_1-.Ltmp1, $4  }
0x101: {  	[hbm4b:s5+s2] =	stream.linear.scatter [tilespmem:s12], [sflag:$0x2], $0x800, $0x38;
	[tilespmem:$0xE500] =	vst v63  }
0x102: {  	_ =	swait.ge [sflag:s7], $0x800  }
0x103: {  	[sflag:s7] =	ssyncset.done $0x0  }
0x104: {  	[sflag:s7] =	ssyncadd.s32 $0xFFFFF800  }
0x105: {  	_ =	sfence.sel $0x180000  }
0x106: {  	[bflag:$0x0] =	sbarrier.arrive $0xFFFF  }
0x107: {  	_ =	strace $0x90000047  }
0x108: {  	s0 =	stileid.u32;
	[bflag:$0x2] =	sbarrier.arrive $0xFFFF  }
0x109: {  	p0 =	sne.s32 s0, $0x0;
	s0 =	rddreg [dreg:$0x2]  }
0x10a: {  	s0 =	sadd.s32 @!p0 $0x100000, s0  }
0x10b: {  	[sflag:s0] =	ssyncadd.tile.s32 @!p0 $0x1;
	_ =	shalt  }
.Lfunc_end2:
_tile_overlayer_lowered:
.L_overlay_start_2:
0x10c: {  	(tag) =	ssettag $0x2  }
0x10d: {  	s0 =	rddreg [dreg:$0x0];
	s2 =	stileid.u32  }
0x10e: {  	s1 =	rddreg [dreg:$0x1];
	p0 =	sne.s32 s2, $0x0  }
0x10f: {  	s3 =	rddreg [dreg:$0x2];
	[bflag:$0x3] =	sbarrier.arrive $0xFFFF;
	s2 =	simm.s32 @!p0 $0x1C02  }
0x110: {  	[timem:s3], [sflag:s2] =	dma.local @!p0 [hbm:s0], s1  }
0x111: {  	s0 =	simm.s32 @!p0 $0x2  }
0x112: {  	_ =	swait.ge @!p0 [sflag:s0], s1  }
0x113: {  	s1 =	ssub.s32 @!p0 $0x0, s1;
	[sflag:s0] =	ssyncset.done @!p0 $0x0  }
0x114: {  	[sflag:s0] =	ssyncadd.s32 @!p0 s1  }
0x115: {  	[bflag:$0x3] =	sbarrier.arrive $0xFFFF  }
0x116: {  	_ =	shalt  }

</sc_bundles>
